<compile_context>
chip_gen: v7x
topology: tpu7x:2x2x1
jax: 0.10.2.dev20260603
libtpu: 0.0.44.dev20260713+nightly
codegen_flags: <defaults>
</compile_context>

<pallas_src>
import functools
import math

import jax
import jax.numpy as jnp
from jax import lax
from jax.experimental import pallas as pl
from jax.experimental.pallas import tpu as pltpu
from jax.experimental.pallas import tpu_sc as plsc

EMBED_DIM = 32
SCALE = math.sqrt(float(EMBED_DIM))
NUM_CORES = 2
NUM_SUBCORES = 16
NUM_WORKERS = NUM_CORES * NUM_SUBCORES
LANES = 16
TABLE_PITCH = 128


def _make_sc_lookup(n_rows: int, n_cols: int):
    assert n_rows % NUM_WORKERS == 0
    rows_per_w = n_rows // NUM_WORKERS
    half = rows_per_w // 2
    n_chunks = 2 * n_cols
    pitch = half + 3

    mesh = plsc.VectorSubcoreMesh(
        core_axis_name="c", subcore_axis_name="s",
        num_cores=NUM_CORES, num_subcores=NUM_SUBCORES)

    @functools.partial(
        pl.kernel,
        out_type=jax.ShapeDtypeStruct((n_cols * EMBED_DIM, n_rows),
                                      jnp.float32),
        mesh=mesh,
        scratch_types=[
            pltpu.VMEM((n_cols, rows_per_w), jnp.int32),
            pltpu.VMEM((half, TABLE_PITCH), jnp.float32),
            pltpu.VMEM((half, TABLE_PITCH), jnp.float32),
            pltpu.VMEM((EMBED_DIM, pitch), jnp.float32),
            pltpu.VMEM((EMBED_DIM, pitch), jnp.float32),
            pltpu.SemaphoreType.DMA,
            pltpu.SemaphoreType.DMA,
            pltpu.SemaphoreType.DMA,
            pltpu.SemaphoreType.DMA,
        ],
        compiler_params=pltpu.CompilerParams(use_tc_tiling_on_sc=False,
                                             needs_layout_passes=False),
    )
    def sc_lookup(table_hbm, idxt_hbm, outt_hbm, idx_v, rows0, rows1, tb0,
                  tb1, gs0, gs1, os0, os1):
        wid = lax.axis_index("s") * NUM_CORES + lax.axis_index("c")
        col0 = wid * rows_per_w

        pltpu.sync_copy(idxt_hbm.at[:, pl.ds(col0, rows_per_w)], idx_v)

        lanes = [lax.broadcasted_iota(jnp.int32, (LANES,), 0) + h * LANES
                 for h in range(EMBED_DIM // LANES)]

        def offsets(g):
            return idx_v.at[g // 2, pl.ds((g % 2) * half, half)]

        def out_slice(g):
            return outt_hbm.at[pl.ds((g // 2) * EMBED_DIM, EMBED_DIM),
                               pl.ds(col0 + (g % 2) * half, half)]

        def start_gather(g, rows, sem):
            pltpu.async_copy(table_hbm.at[offsets(g)], rows, sem)

        def finish(g, rows, tb, gsem, osem, p):
            pltpu.make_async_copy(table_hbm.at[offsets(g)], rows,
                                  gsem).wait()

            @pl.when(p > 0)
            def _():
                pltpu.make_async_copy(tb.at[:, pl.ds(0, half)],
                                      out_slice(g - 2), osem).wait()

            def scale_t(i, carry):
                icol = jnp.full((LANES,), 0, jnp.int32) + i
                for h in range(EMBED_DIM // LANES):
                    v = rows[i, pl.ds(h * LANES, LANES)] * SCALE
                    plsc.store_scatter(tb, [lanes[h], icol], v)
                return carry

            lax.fori_loop(0, half, scale_t, 0, unroll=8)
            pltpu.async_copy(tb.at[:, pl.ds(0, half)], out_slice(g), osem)

        start_gather(0, rows0, gs0)

        def pair_body(p, carry):
            g0 = 2 * p
            start_gather(g0 + 1, rows1, gs1)
            finish(g0, rows0, tb0, gs0, os0, p)

            @pl.when(g0 + 2 < n_chunks)
            def _():
                start_gather(g0 + 2, rows0, gs0)

            finish(g0 + 1, rows1, tb1, gs1, os1, p)
            return carry

        lax.fori_loop(0, n_chunks // 2, pair_body, 0)
        pltpu.make_async_copy(tb0.at[:, pl.ds(0, half)],
                              out_slice(n_chunks - 2), os0).wait()
        pltpu.make_async_copy(tb1.at[:, pl.ds(0, half)],
                              out_slice(n_chunks - 1), os1).wait()

    return sc_lookup


def kernel(input, table):
    n_rows, n_cols = input.shape
    idxt = input.T.astype(jnp.int32)
    tpad = jnp.pad(table, ((0, 0), (0, TABLE_PITCH - EMBED_DIM)))
    out2d = _make_sc_lookup(n_rows, n_cols)(tpad, idxt)
    outt = out2d.reshape(n_cols, EMBED_DIM, n_rows)
    return jnp.transpose(outt, (2, 0, 1))

# --- scband reference (transcript-rebuilt; emitter-appended) ---
"""Pipeline reference for scband-embedding-22067541967481 (READ-ONLY COPY).

The authoritative reference and input builder live on the scoring server;
editing this copy changes nothing except your own understanding.
"""

import jax, jax.numpy as jnp
import numpy as np
import math

VOCAB_SIZE = 1000000
EMBED_DIM = 32

def setup_inputs(seed: int = 0) -> dict:
    key = jax.random.key(seed)
    k1, k2 = jax.random.split(key)
    input_idx = jax.random.randint(k1, (16384, 50), 0, VOCAB_SIZE, dtype=jnp.int64 if jax.config.jax_enable_x64 else jnp.int32)
    table = jax.random.normal(k2, (VOCAB_SIZE, EMBED_DIM), dtype=jnp.float32)
    return {"input": input_idx, "table": table}

def reference(input, table) -> jnp.ndarray:
    # Embedding lookup followed by sqrt(embedding_dim) scaling
    emb = jnp.take(table, input, axis=0)
    return emb * math.sqrt(EMBED_DIM)

if __name__ == "__main__":
    import jax
    _d = setup_inputs()
    print(jax.jit(kernel)(*tuple(_d.values())))

</pallas_src>

<mosaic_0001>
#map = affine_map<(d0, d1) -> (0, 0)>
module attributes {stable_mosaic.version = 14 : i64} {
  func.func @sc_lookup(%arg0: i32, %arg1: i32, %arg2: memref<1000000x128xf32, #tpu.memory_space<hbm>>, %arg3: memref<50x16384xi32, #tpu.memory_space<hbm>>, %arg4: memref<1600x16384xf32, #tpu.memory_space<hbm>>, %arg5: memref<50x512xi32, #tpu.memory_space<vmem>>, %arg6: memref<256x128xf32, #tpu.memory_space<vmem>>, %arg7: memref<256x128xf32, #tpu.memory_space<vmem>>, %arg8: memref<32x259xf32, #tpu.memory_space<vmem>>, %arg9: memref<32x259xf32, #tpu.memory_space<vmem>>, %arg10: memref<!tpu.dma_semaphore, #tpu.memory_space<semaphore_mem>>, %arg11: memref<!tpu.dma_semaphore, #tpu.memory_space<semaphore_mem>>, %arg12: memref<!tpu.dma_semaphore, #tpu.memory_space<semaphore_mem>>, %arg13: memref<!tpu.dma_semaphore, #tpu.memory_space<semaphore_mem>>) attributes {dimension_semantics = [#tpu.dimension_semantics<core_parallel>, #tpu.dimension_semantics<subcore_parallel>], iteration_bounds = array<i64: 2, 16>, scalar_prefetch = 0 : i64, scratch_operands = 9 : i64, tpu.core_type = #tpu.core_type<sc_vector_subcore>, window_params = [{transform_indices = #map}, {transform_indices = #map}, {transform_indices = #map}]} {
    %mul3A = arith.constant 2 : i32
    %mul3A_0 = arith.muli %arg1, %mul3A : i32
    %add3A = arith.addi %mul3A_0, %arg0 : i32
    %mul3A_1 = arith.constant 512 : i32
    %mul3A_2 = arith.muli %add3A, %mul3A_1 : i32
    "tpu.region"() ({
      %run_scoped3A = tpu.sem_alloc : memref<!tpu.dma_semaphore, #tpu.memory_space<semaphore_mem>>
      %dma_start3A_44 = arith.constant 0 : i32
      %dma_start3A_45 = tpu.memref_slice %arg3[%dma_start3A_44, %mul3A_2] : memref<50x16384xi32, #tpu.memory_space<hbm>> -> memref<50x512xi32, #tpu.memory_space<hbm>>
      %dma_start3A_46 = arith.constant 0 : i32
      %dma_start3A_47 = tpu.memref_slice %arg3[%dma_start3A_46, %mul3A_2] : memref<50x16384xi32, #tpu.memory_space<hbm>> -> memref<50x512xi32, #tpu.memory_space<hbm>>
      tpu.enqueue_dma source(%dma_start3A_47 : memref<50x512xi32, #tpu.memory_space<hbm>>) target(%arg5 : memref<50x512xi32, #tpu.memory_space<vmem>>) target_semaphore(%run_scoped3A : memref<!tpu.dma_semaphore, #tpu.memory_space<semaphore_mem>>)
      %dma_wait3A_48 = arith.constant 0 : i32
      %dma_wait3A_49 = tpu.memref_slice %arg3[%dma_wait3A_48, %mul3A_2] : memref<50x16384xi32, #tpu.memory_space<hbm>> -> memref<50x512xi32, #tpu.memory_space<hbm>>
      %dma_wait3A_50 = arith.constant 0 : i32
      %dma_wait3A_51 = tpu.memref_slice %arg3[%dma_wait3A_50, %mul3A_2] : memref<50x16384xi32, #tpu.memory_space<hbm>> -> memref<50x512xi32, #tpu.memory_space<hbm>>
      tpu.wait_dma2 semaphore(%run_scoped3A : memref<!tpu.dma_semaphore, #tpu.memory_space<semaphore_mem>>) src(%dma_wait3A_51 : memref<50x512xi32, #tpu.memory_space<hbm>>) dst(%arg5 : memref<50x512xi32, #tpu.memory_space<vmem>>)
      tpu.yield
    }) : () -> ()
    %iota3A = tpu.iota {dimensions = array<i32: 0>} : vector<16xi32>
    %add3A_3 = arith.constant 0 : i32
    %add3A_4 = vector.broadcast %add3A_3 : i32 to vector<16xi32>
    %add3A_5 = arith.addi %iota3A, %add3A_4 : vector<16xi32>
    %iota3A_6 = tpu.iota {dimensions = array<i32: 0>} : vector<16xi32>
    %add3A_7 = arith.constant 16 : i32
    %add3A_8 = vector.broadcast %add3A_7 : i32 to vector<16xi32>
    %add3A_9 = arith.addi %iota3A_6, %add3A_8 : vector<16xi32>
    %dma_start3A = arith.constant 0 : i32
    %dma_start3A_10 = arith.constant 0 : i32
    %dma_start3A_11 = tpu.memref_slice %arg5[%dma_start3A, %dma_start3A_10] : memref<50x512xi32, #tpu.memory_space<vmem>> -> memref<1x256xi32, #tpu.memory_space<vmem>>
    %dma_start3A_12 = tpu.memref_squeeze %dma_start3A_11 : memref<1x256xi32, #tpu.memory_space<vmem>> -> memref<256xi32, #tpu.memory_space<vmem>>
    %dma_start3A_13 = arith.constant 0 : i32
    %dma_start3A_14 = arith.constant 0 : i32
    %dma_start3A_15 = tpu.memref_slice %arg2[%dma_start3A_13, %dma_start3A_14] : memref<1000000x128xf32, #tpu.memory_space<hbm>> -> memref<1000000x128xf32, #tpu.memory_space<hbm>>
    tpu.enqueue_indirect_dma source(%dma_start3A_15 : memref<1000000x128xf32, #tpu.memory_space<hbm>>) target(%arg6 : memref<256x128xf32, #tpu.memory_space<vmem>>) offsets(%dma_start3A_12 : memref<256xi32, #tpu.memory_space<vmem>>) semaphore(%arg10 : memref<!tpu.dma_semaphore, #tpu.memory_space<semaphore_mem>>)
    %scan3A = arith.constant 0 : i32
    %scan3A_16 = arith.constant 0 : i32
    %scan3A_17 = arith.constant 50 : i32
    %scan3A_18 = arith.addi %scan3A_16, %scan3A_17 : i32
    %scan3A_19 = arith.constant 1 : i32
    scf.for %scan3A_44 = %scan3A_16 to %scan3A_18 step %scan3A_19  : i32 {
      %mul3A_45 = arith.constant 2 : i32
      %mul3A_46 = arith.muli %mul3A_45, %scan3A_44 : i32
      %add3A_47 = arith.constant 1 : i32
      %add3A_48 = arith.addi %mul3A_46, %add3A_47 : i32
      %jit3A = arith.constant 2 : i32
      %div3A = arith.divsi %add3A_48, %jit3A : i32
      %sign3A = arith.constant 0 : i32
      %sign3A_49 = arith.cmpi sgt, %add3A_48, %sign3A : i32
      %sign3A_50 = arith.extui %sign3A_49 : i1 to i32
      %sign3A_51 = arith.constant 0 : i32
      %sign3A_52 = arith.cmpi slt, %add3A_48, %sign3A_51 : i32
      %sign3A_53 = arith.extui %sign3A_52 : i1 to i32
      %sign3A_54 = arith.subi %sign3A_50, %sign3A_53 : i32
      %sign3A_55 = arith.constant 0 : i32
      %sign3A_56 = arith.cmpi sgt, %jit3A, %sign3A_55 : i32
      %sign3A_57 = arith.extui %sign3A_56 : i1 to i32
      %sign3A_58 = arith.constant 0 : i32
      %sign3A_59 = arith.cmpi slt, %jit3A, %sign3A_58 : i32
      %sign3A_60 = arith.extui %sign3A_59 : i1 to i32
      %sign3A_61 = arith.subi %sign3A_57, %sign3A_60 : i32
      %ne3A = arith.cmpi ne, %sign3A_54, %sign3A_61 : i32
      %rem3A = arith.remsi %add3A_48, %jit3A : i32
      %ne3A_62 = arith.constant 0 : i32
      %ne3A_63 = arith.cmpi ne, %rem3A, %ne3A_62 : i32
      %and3A = arith.andi %ne3A, %ne3A_63 : i1
      %sub3A = arith.constant 1 : i32
      %sub3A_64 = arith.subi %div3A, %sub3A : i32
      %select_n3A = arith.select %and3A, %sub3A_64, %div3A : i32
      %jit3A_65 = arith.constant 2 : i32
      %eq3A = arith.constant 0 : i32
      %eq3A_66 = arith.cmpi eq, %jit3A_65, %eq3A : i32
      %jit3A_67 = arith.constant 1 : i32
      %select_n3A_68 = arith.select %eq3A_66, %jit3A_67, %jit3A_65 : i32
      %rem3A_69 = arith.remsi %add3A_48, %select_n3A_68 : i32
      %ne3A_70 = arith.constant 0 : i32
      %ne3A_71 = arith.cmpi ne, %rem3A_69, %ne3A_70 : i32
      %lt3A = arith.constant 0 : i32
      %lt3A_72 = arith.cmpi slt, %rem3A_69, %lt3A : i32
      %lt3A_73 = arith.constant 0 : i32
      %lt3A_74 = arith.cmpi slt, %select_n3A_68, %lt3A_73 : i32
      %ne3A_75 = arith.xori %lt3A_72, %lt3A_74 : i1
      %and3A_76 = arith.andi %ne3A_75, %ne3A_71 : i1
      %add3A_77 = arith.addi %rem3A_69, %select_n3A_68 : i32
      %select_n3A_78 = arith.select %and3A_76, %add3A_77, %rem3A_69 : i32
      %mul3A_79 = arith.constant 256 : i32
      %mul3A_80 = arith.muli %select_n3A_78, %mul3A_79 : i32
      %dma_start3A_81 = tpu.memref_slice %arg5[%select_n3A, %mul3A_80] : memref<50x512xi32, #tpu.memory_space<vmem>> -> memref<1x256xi32, #tpu.memory_space<vmem>>
      %dma_start3A_82 = tpu.memref_squeeze %dma_start3A_81 : memref<1x256xi32, #tpu.memory_space<vmem>> -> memref<256xi32, #tpu.memory_space<vmem>>
      %dma_start3A_83 = arith.constant 0 : i32
      %dma_start3A_84 = arith.constant 0 : i32
      %dma_start3A_85 = tpu.memref_slice %arg2[%dma_start3A_83, %dma_start3A_84] : memref<1000000x128xf32, #tpu.memory_space<hbm>> -> memref<1000000x128xf32, #tpu.memory_space<hbm>>
      tpu.enqueue_indirect_dma source(%dma_start3A_85 : memref<1000000x128xf32, #tpu.memory_space<hbm>>) target(%arg7 : memref<256x128xf32, #tpu.memory_space<vmem>>) offsets(%dma_start3A_82 : memref<256xi32, #tpu.memory_space<vmem>>) semaphore(%arg11 : memref<!tpu.dma_semaphore, #tpu.memory_space<semaphore_mem>>)
      %jit3A_86 = arith.constant 2 : i32
      %div3A_87 = arith.divsi %mul3A_46, %jit3A_86 : i32
      %sign3A_88 = arith.constant 0 : i32
      %sign3A_89 = arith.cmpi sgt, %mul3A_46, %sign3A_88 : i32
      %sign3A_90 = arith.extui %sign3A_89 : i1 to i32
      %sign3A_91 = arith.constant 0 : i32
      %sign3A_92 = arith.cmpi slt, %mul3A_46, %sign3A_91 : i32
      %sign3A_93 = arith.extui %sign3A_92 : i1 to i32
      %sign3A_94 = arith.subi %sign3A_90, %sign3A_93 : i32
      %sign3A_95 = arith.constant 0 : i32
      %sign3A_96 = arith.cmpi sgt, %jit3A_86, %sign3A_95 : i32
      %sign3A_97 = arith.extui %sign3A_96 : i1 to i32
      %sign3A_98 = arith.constant 0 : i32
      %sign3A_99 = arith.cmpi slt, %jit3A_86, %sign3A_98 : i32
      %sign3A_100 = arith.extui %sign3A_99 : i1 to i32
      %sign3A_101 = arith.subi %sign3A_97, %sign3A_100 : i32
      %ne3A_102 = arith.cmpi ne, %sign3A_94, %sign3A_101 : i32
      %rem3A_103 = arith.remsi %mul3A_46, %jit3A_86 : i32
      %ne3A_104 = arith.constant 0 : i32
      %ne3A_105 = arith.cmpi ne, %rem3A_103, %ne3A_104 : i32
      %and3A_106 = arith.andi %ne3A_102, %ne3A_105 : i1
      %sub3A_107 = arith.constant 1 : i32
      %sub3A_108 = arith.subi %div3A_87, %sub3A_107 : i32
      %select_n3A_109 = arith.select %and3A_106, %sub3A_108, %div3A_87 : i32
      %jit3A_110 = arith.constant 2 : i32
      %eq3A_111 = arith.constant 0 : i32
      %eq3A_112 = arith.cmpi eq, %jit3A_110, %eq3A_111 : i32
      %jit3A_113 = arith.constant 1 : i32
      %select_n3A_114 = arith.select %eq3A_112, %jit3A_113, %jit3A_110 : i32
      %rem3A_115 = arith.remsi %mul3A_46, %select_n3A_114 : i32
      %ne3A_116 = arith.constant 0 : i32
      %ne3A_117 = arith.cmpi ne, %rem3A_115, %ne3A_116 : i32
      %lt3A_118 = arith.constant 0 : i32
      %lt3A_119 = arith.cmpi slt, %rem3A_115, %lt3A_118 : i32
      %lt3A_120 = arith.constant 0 : i32
      %lt3A_121 = arith.cmpi slt, %select_n3A_114, %lt3A_120 : i32
      %ne3A_122 = arith.xori %lt3A_119, %lt3A_121 : i1
      %and3A_123 = arith.andi %ne3A_122, %ne3A_117 : i1
      %add3A_124 = arith.addi %rem3A_115, %select_n3A_114 : i32
      %select_n3A_125 = arith.select %and3A_123, %add3A_124, %rem3A_115 : i32
      %mul3A_126 = arith.constant 256 : i32
      %mul3A_127 = arith.muli %select_n3A_125, %mul3A_126 : i32
      %dma_wait3A_128 = tpu.memref_slice %arg5[%select_n3A_109, %mul3A_127] : memref<50x512xi32, #tpu.memory_space<vmem>> -> memref<1x256xi32, #tpu.memory_space<vmem>>
      %dma_wait3A_129 = tpu.memref_squeeze %dma_wait3A_128 : memref<1x256xi32, #tpu.memory_space<vmem>> -> memref<256xi32, #tpu.memory_space<vmem>>
      %dma_wait3A_130 = arith.constant 0 : i32
      %dma_wait3A_131 = arith.constant 0 : i32
      %dma_wait3A_132 = tpu.memref_slice %arg2[%dma_wait3A_130, %dma_wait3A_131] : memref<1000000x128xf32, #tpu.memory_space<hbm>> -> memref<1000000x128xf32, #tpu.memory_space<hbm>>
      tpu.wait_indirect_dma semaphore(%arg10 : memref<!tpu.dma_semaphore, #tpu.memory_space<semaphore_mem>>) src(%dma_wait3A_132 : memref<1000000x128xf32, #tpu.memory_space<hbm>>) dst(%arg6 : memref<256x128xf32, #tpu.memory_space<vmem>>)
      %gt3A = arith.constant 0 : i32
      %gt3A_133 = arith.cmpi sgt, %scan3A_44, %gt3A : i32
      %convert_element_type3A = arith.extui %gt3A_133 : i1 to i32
      %cond3A = arith.constant 0 : i32
      %cond3A_134 = arith.cmpi ne, %convert_element_type3A, %cond3A : i32
      scf.if %cond3A_134 {
        %sub3A_314 = arith.constant 2 : i32
        %sub3A_315 = arith.subi %mul3A_46, %sub3A_314 : i32
        %jit3A_316 = arith.constant 2 : i32
        %div3A_317 = arith.divsi %sub3A_315, %jit3A_316 : i32
        %sign3A_318 = arith.constant 0 : i32
        %sign3A_319 = arith.cmpi sgt, %sub3A_315, %sign3A_318 : i32
        %sign3A_320 = arith.extui %sign3A_319 : i1 to i32
        %sign3A_321 = arith.constant 0 : i32
        %sign3A_322 = arith.cmpi slt, %sub3A_315, %sign3A_321 : i32
        %sign3A_323 = arith.extui %sign3A_322 : i1 to i32
        %sign3A_324 = arith.subi %sign3A_320, %sign3A_323 : i32
        %sign3A_325 = arith.constant 0 : i32
        %sign3A_326 = arith.cmpi sgt, %jit3A_316, %sign3A_325 : i32
        %sign3A_327 = arith.extui %sign3A_326 : i1 to i32
        %sign3A_328 = arith.constant 0 : i32
        %sign3A_329 = arith.cmpi slt, %jit3A_316, %sign3A_328 : i32
        %sign3A_330 = arith.extui %sign3A_329 : i1 to i32
        %sign3A_331 = arith.subi %sign3A_327, %sign3A_330 : i32
        %ne3A_332 = arith.cmpi ne, %sign3A_324, %sign3A_331 : i32
        %rem3A_333 = arith.remsi %sub3A_315, %jit3A_316 : i32
        %ne3A_334 = arith.constant 0 : i32
        %ne3A_335 = arith.cmpi ne, %rem3A_333, %ne3A_334 : i32
        %and3A_336 = arith.andi %ne3A_332, %ne3A_335 : i1
        %sub3A_337 = arith.constant 1 : i32
        %sub3A_338 = arith.subi %div3A_317, %sub3A_337 : i32
        %select_n3A_339 = arith.select %and3A_336, %sub3A_338, %div3A_317 : i32
        %mul3A_340 = arith.constant 32 : i32
        %mul3A_341 = arith.muli %select_n3A_339, %mul3A_340 : i32
        %jit3A_342 = arith.constant 2 : i32
        %eq3A_343 = arith.constant 0 : i32
        %eq3A_344 = arith.cmpi eq, %jit3A_342, %eq3A_343 : i32
        %jit3A_345 = arith.constant 1 : i32
        %select_n3A_346 = arith.select %eq3A_344, %jit3A_345, %jit3A_342 : i32
        %rem3A_347 = arith.remsi %sub3A_315, %select_n3A_346 : i32
        %ne3A_348 = arith.constant 0 : i32
        %ne3A_349 = arith.cmpi ne, %rem3A_347, %ne3A_348 : i32
        %lt3A_350 = arith.constant 0 : i32
        %lt3A_351 = arith.cmpi slt, %rem3A_347, %lt3A_350 : i32
        %lt3A_352 = arith.constant 0 : i32
        %lt3A_353 = arith.cmpi slt, %select_n3A_346, %lt3A_352 : i32
        %ne3A_354 = arith.xori %lt3A_351, %lt3A_353 : i1
        %and3A_355 = arith.andi %ne3A_354, %ne3A_349 : i1
        %add3A_356 = arith.addi %rem3A_347, %select_n3A_346 : i32
        %select_n3A_357 = arith.select %and3A_355, %add3A_356, %rem3A_347 : i32
        %mul3A_358 = arith.constant 256 : i32
        %mul3A_359 = arith.muli %select_n3A_357, %mul3A_358 : i32
        %add3A_360 = arith.addi %mul3A_2, %mul3A_359 : i32
        %dma_wait3A_361 = arith.constant 0 : i32
        %dma_wait3A_362 = arith.constant 0 : i32
        %dma_wait3A_363 = tpu.memref_slice %arg8[%dma_wait3A_361, %dma_wait3A_362] : memref<32x259xf32, #tpu.memory_space<vmem>> -> memref<32x256xf32, #tpu.memory_space<vmem>>
        %dma_wait3A_364 = tpu.memref_slice %arg4[%mul3A_341, %add3A_360] : memref<1600x16384xf32, #tpu.memory_space<hbm>> -> memref<32x256xf32, #tpu.memory_space<hbm>>
        %dma_wait3A_365 = tpu.memref_slice %arg4[%mul3A_341, %add3A_360] : memref<1600x16384xf32, #tpu.memory_space<hbm>> -> memref<32x256xf32, #tpu.memory_space<hbm>>
        %dma_wait3A_366 = arith.constant 0 : i32
        %dma_wait3A_367 = arith.constant 0 : i32
        %dma_wait3A_368 = tpu.memref_slice %arg8[%dma_wait3A_366, %dma_wait3A_367] : memref<32x259xf32, #tpu.memory_space<vmem>> -> memref<32x256xf32, #tpu.memory_space<vmem>>
        tpu.wait_dma2 semaphore(%arg12 : memref<!tpu.dma_semaphore, #tpu.memory_space<semaphore_mem>>) src(%dma_wait3A_368 : memref<32x256xf32, #tpu.memory_space<vmem>>) dst(%dma_wait3A_365 : memref<32x256xf32, #tpu.memory_space<hbm>>)
      } else {
      }
      %scan3A_135 = arith.constant 0 : i32
      %scan3A_136 = arith.constant 0 : i32
      %scan3A_137 = arith.constant 256 : i32
      %scan3A_138 = arith.addi %scan3A_136, %scan3A_137 : i32
      %scan3A_139 = arith.constant 8 : i32
      scf.for %scan3A_314 = %scan3A_136 to %scan3A_138 step %scan3A_139  : i32 {
        %broadcast_in_dim3A = arith.constant 0 : i32
        %broadcast_in_dim3A_315 = vector.broadcast %broadcast_in_dim3A : i32 to vector<16xi32>
        %add3A_316 = vector.broadcast %scan3A_314 : i32 to vector<16xi32>
        %add3A_317 = arith.addi %broadcast_in_dim3A_315, %add3A_316 : vector<16xi32>
        %get3A = arith.index_cast %scan3A_314 : i32 to index
        %get3A_318 = arith.constant 0 : index
        %get3A_319 = tpu.vector_load %arg6[%get3A, %get3A_318] {strides = array<i32>} : memref<256x128xf32, #tpu.memory_space<vmem>>, vector<16xf32>,
        %mul3A_320 = arith.constant 5.65685415 : f32
        %mul3A_321 = vector.broadcast %mul3A_320 : f32 to vector<16xf32>
        %mul3A_322 = arith.mulf %get3A_319, %mul3A_321 : vector<16xf32>
        tpu.vector_store_idx %arg8[%add3A_5, %add3A_317], %mul3A_322 : memref<32x259xf32, #tpu.memory_space<vmem>>[vector<16xi32>, vector<16xi32>], vector<16xf32>,
        %get3A_323 = arith.index_cast %scan3A_314 : i32 to index
        %get3A_324 = arith.constant 16 : index
        %get3A_325 = tpu.vector_load %arg6[%get3A_323, %get3A_324] {strides = array<i32>} : memref<256x128xf32, #tpu.memory_space<vmem>>, vector<16xf32>,
        %mul3A_326 = arith.constant 5.65685415 : f32
        %mul3A_327 = vector.broadcast %mul3A_326 : f32 to vector<16xf32>
        %mul3A_328 = arith.mulf %get3A_325, %mul3A_327 : vector<16xf32>
        tpu.vector_store_idx %arg8[%add3A_9, %add3A_317], %mul3A_328 : memref<32x259xf32, #tpu.memory_space<vmem>>[vector<16xi32>, vector<16xi32>], vector<16xf32>,
        %scan3A_329 = arith.constant 1 : i32
        %scan3A_330 = arith.addi %scan3A_314, %scan3A_329 : i32
        %broadcast_in_dim3A_331 = arith.constant 0 : i32
        %broadcast_in_dim3A_332 = vector.broadcast %broadcast_in_dim3A_331 : i32 to vector<16xi32>
        %add3A_333 = vector.broadcast %scan3A_330 : i32 to vector<16xi32>
        %add3A_334 = arith.addi %broadcast_in_dim3A_332, %add3A_333 : vector<16xi32>
        %get3A_335 = arith.index_cast %scan3A_330 : i32 to index
        %get3A_336 = arith.constant 0 : index
        %get3A_337 = tpu.vector_load %arg6[%get3A_335, %get3A_336] {strides = array<i32>} : memref<256x128xf32, #tpu.memory_space<vmem>>, vector<16xf32>,
        %mul3A_338 = arith.constant 5.65685415 : f32
        %mul3A_339 = vector.broadcast %mul3A_338 : f32 to vector<16xf32>
        %mul3A_340 = arith.mulf %get3A_337, %mul3A_339 : vector<16xf32>
        tpu.vector_store_idx %arg8[%add3A_5, %add3A_334], %mul3A_340 : memref<32x259xf32, #tpu.memory_space<vmem>>[vector<16xi32>, vector<16xi32>], vector<16xf32>,
        %get3A_341 = arith.index_cast %scan3A_330 : i32 to index
        %get3A_342 = arith.constant 16 : index
        %get3A_343 = tpu.vector_load %arg6[%get3A_341, %get3A_342] {strides = array<i32>} : memref<256x128xf32, #tpu.memory_space<vmem>>, vector<16xf32>,
        %mul3A_344 = arith.constant 5.65685415 : f32
        %mul3A_345 = vector.broadcast %mul3A_344 : f32 to vector<16xf32>
        %mul3A_346 = arith.mulf %get3A_343, %mul3A_345 : vector<16xf32>
        tpu.vector_store_idx %arg8[%add3A_9, %add3A_334], %mul3A_346 : memref<32x259xf32, #tpu.memory_space<vmem>>[vector<16xi32>, vector<16xi32>], vector<16xf32>,
        %scan3A_347 = arith.constant 2 : i32
        %scan3A_348 = arith.addi %scan3A_314, %scan3A_347 : i32
        %broadcast_in_dim3A_349 = arith.constant 0 : i32
        %broadcast_in_dim3A_350 = vector.broadcast %broadcast_in_dim3A_349 : i32 to vector<16xi32>
        %add3A_351 = vector.broadcast %scan3A_348 : i32 to vector<16xi32>
        %add3A_352 = arith.addi %broadcast_in_dim3A_350, %add3A_351 : vector<16xi32>
        %get3A_353 = arith.index_cast %scan3A_348 : i32 to index
        %get3A_354 = arith.constant 0 : index
        %get3A_355 = tpu.vector_load %arg6[%get3A_353, %get3A_354] {strides = array<i32>} : memref<256x128xf32, #tpu.memory_space<vmem>>, vector<16xf32>,
        %mul3A_356 = arith.constant 5.65685415 : f32
        %mul3A_357 = vector.broadcast %mul3A_356 : f32 to vector<16xf32>
        %mul3A_358 = arith.mulf %get3A_355, %mul3A_357 : vector<16xf32>
        tpu.vector_store_idx %arg8[%add3A_5, %add3A_352], %mul3A_358 : memref<32x259xf32, #tpu.memory_space<vmem>>[vector<16xi32>, vector<16xi32>], vector<16xf32>,
        %get3A_359 = arith.index_cast %scan3A_348 : i32 to index
        %get3A_360 = arith.constant 16 : index
        %get3A_361 = tpu.vector_load %arg6[%get3A_359, %get3A_360] {strides = array<i32>} : memref<256x128xf32, #tpu.memory_space<vmem>>, vector<16xf32>,
        %mul3A_362 = arith.constant 5.65685415 : f32
        %mul3A_363 = vector.broadcast %mul3A_362 : f32 to vector<16xf32>
        %mul3A_364 = arith.mulf %get3A_361, %mul3A_363 : vector<16xf32>
        tpu.vector_store_idx %arg8[%add3A_9, %add3A_352], %mul3A_364 : memref<32x259xf32, #tpu.memory_space<vmem>>[vector<16xi32>, vector<16xi32>], vector<16xf32>,
        %scan3A_365 = arith.constant 3 : i32
        %scan3A_366 = arith.addi %scan3A_314, %scan3A_365 : i32
        %broadcast_in_dim3A_367 = arith.constant 0 : i32
        %broadcast_in_dim3A_368 = vector.broadcast %broadcast_in_dim3A_367 : i32 to vector<16xi32>
        %add3A_369 = vector.broadcast %scan3A_366 : i32 to vector<16xi32>
        %add3A_370 = arith.addi %broadcast_in_dim3A_368, %add3A_369 : vector<16xi32>
        %get3A_371 = arith.index_cast %scan3A_366 : i32 to index
        %get3A_372 = arith.constant 0 : index
        %get3A_373 = tpu.vector_load %arg6[%get3A_371, %get3A_372] {strides = array<i32>} : memref<256x128xf32, #tpu.memory_space<vmem>>, vector<16xf32>,
        %mul3A_374 = arith.constant 5.65685415 : f32
        %mul3A_375 = vector.broadcast %mul3A_374 : f32 to vector<16xf32>
        %mul3A_376 = arith.mulf %get3A_373, %mul3A_375 : vector<16xf32>
        tpu.vector_store_idx %arg8[%add3A_5, %add3A_370], %mul3A_376 : memref<32x259xf32, #tpu.memory_space<vmem>>[vector<16xi32>, vector<16xi32>], vector<16xf32>,
        %get3A_377 = arith.index_cast %scan3A_366 : i32 to index
        %get3A_378 = arith.constant 16 : index
        %get3A_379 = tpu.vector_load %arg6[%get3A_377, %get3A_378] {strides = array<i32>} : memref<256x128xf32, #tpu.memory_space<vmem>>, vector<16xf32>,
        %mul3A_380 = arith.constant 5.65685415 : f32
        %mul3A_381 = vector.broadcast %mul3A_380 : f32 to vector<16xf32>
        %mul3A_382 = arith.mulf %get3A_379, %mul3A_381 : vector<16xf32>
        tpu.vector_store_idx %arg8[%add3A_9, %add3A_370], %mul3A_382 : memref<32x259xf32, #tpu.memory_space<vmem>>[vector<16xi32>, vector<16xi32>], vector<16xf32>,
        %scan3A_383 = arith.constant 4 : i32
        %scan3A_384 = arith.addi %scan3A_314, %scan3A_383 : i32
        %broadcast_in_dim3A_385 = arith.constant 0 : i32
        %broadcast_in_dim3A_386 = vector.broadcast %broadcast_in_dim3A_385 : i32 to vector<16xi32>
        %add3A_387 = vector.broadcast %scan3A_384 : i32 to vector<16xi32>
        %add3A_388 = arith.addi %broadcast_in_dim3A_386, %add3A_387 : vector<16xi32>
        %get3A_389 = arith.index_cast %scan3A_384 : i32 to index
        %get3A_390 = arith.constant 0 : index
        %get3A_391 = tpu.vector_load %arg6[%get3A_389, %get3A_390] {strides = array<i32>} : memref<256x128xf32, #tpu.memory_space<vmem>>, vector<16xf32>,
        %mul3A_392 = arith.constant 5.65685415 : f32
        %mul3A_393 = vector.broadcast %mul3A_392 : f32 to vector<16xf32>
        %mul3A_394 = arith.mulf %get3A_391, %mul3A_393 : vector<16xf32>
        tpu.vector_store_idx %arg8[%add3A_5, %add3A_388], %mul3A_394 : memref<32x259xf32, #tpu.memory_space<vmem>>[vector<16xi32>, vector<16xi32>], vector<16xf32>,
        %get3A_395 = arith.index_cast %scan3A_384 : i32 to index
        %get3A_396 = arith.constant 16 : index
        %get3A_397 = tpu.vector_load %arg6[%get3A_395, %get3A_396] {strides = array<i32>} : memref<256x128xf32, #tpu.memory_space<vmem>>, vector<16xf32>,
        %mul3A_398 = arith.constant 5.65685415 : f32
        %mul3A_399 = vector.broadcast %mul3A_398 : f32 to vector<16xf32>
        %mul3A_400 = arith.mulf %get3A_397, %mul3A_399 : vector<16xf32>
        tpu.vector_store_idx %arg8[%add3A_9, %add3A_388], %mul3A_400 : memref<32x259xf32, #tpu.memory_space<vmem>>[vector<16xi32>, vector<16xi32>], vector<16xf32>,
        %scan3A_401 = arith.constant 5 : i32
        %scan3A_402 = arith.addi %scan3A_314, %scan3A_401 : i32
        %broadcast_in_dim3A_403 = arith.constant 0 : i32
        %broadcast_in_dim3A_404 = vector.broadcast %broadcast_in_dim3A_403 : i32 to vector<16xi32>
        %add3A_405 = vector.broadcast %scan3A_402 : i32 to vector<16xi32>
        %add3A_406 = arith.addi %broadcast_in_dim3A_404, %add3A_405 : vector<16xi32>
        %get3A_407 = arith.index_cast %scan3A_402 : i32 to index
        %get3A_408 = arith.constant 0 : index
        %get3A_409 = tpu.vector_load %arg6[%get3A_407, %get3A_408] {strides = array<i32>} : memref<256x128xf32, #tpu.memory_space<vmem>>, vector<16xf32>,
        %mul3A_410 = arith.constant 5.65685415 : f32
        %mul3A_411 = vector.broadcast %mul3A_410 : f32 to vector<16xf32>
        %mul3A_412 = arith.mulf %get3A_409, %mul3A_411 : vector<16xf32>
        tpu.vector_store_idx %arg8[%add3A_5, %add3A_406], %mul3A_412 : memref<32x259xf32, #tpu.memory_space<vmem>>[vector<16xi32>, vector<16xi32>], vector<16xf32>,
        %get3A_413 = arith.index_cast %scan3A_402 : i32 to index
        %get3A_414 = arith.constant 16 : index
        %get3A_415 = tpu.vector_load %arg6[%get3A_413, %get3A_414] {strides = array<i32>} : memref<256x128xf32, #tpu.memory_space<vmem>>, vector<16xf32>,
        %mul3A_416 = arith.constant 5.65685415 : f32
        %mul3A_417 = vector.broadcast %mul3A_416 : f32 to vector<16xf32>
        %mul3A_418 = arith.mulf %get3A_415, %mul3A_417 : vector<16xf32>
        tpu.vector_store_idx %arg8[%add3A_9, %add3A_406], %mul3A_418 : memref<32x259xf32, #tpu.memory_space<vmem>>[vector<16xi32>, vector<16xi32>], vector<16xf32>,
        %scan3A_419 = arith.constant 6 : i32
        %scan3A_420 = arith.addi %scan3A_314, %scan3A_419 : i32
        %broadcast_in_dim3A_421 = arith.constant 0 : i32
        %broadcast_in_dim3A_422 = vector.broadcast %broadcast_in_dim3A_421 : i32 to vector<16xi32>
        %add3A_423 = vector.broadcast %scan3A_420 : i32 to vector<16xi32>
        %add3A_424 = arith.addi %broadcast_in_dim3A_422, %add3A_423 : vector<16xi32>
        %get3A_425 = arith.index_cast %scan3A_420 : i32 to index
        %get3A_426 = arith.constant 0 : index
        %get3A_427 = tpu.vector_load %arg6[%get3A_425, %get3A_426] {strides = array<i32>} : memref<256x128xf32, #tpu.memory_space<vmem>>, vector<16xf32>,
        %mul3A_428 = arith.constant 5.65685415 : f32
        %mul3A_429 = vector.broadcast %mul3A_428 : f32 to vector<16xf32>
        %mul3A_430 = arith.mulf %get3A_427, %mul3A_429 : vector<16xf32>
        tpu.vector_store_idx %arg8[%add3A_5, %add3A_424], %mul3A_430 : memref<32x259xf32, #tpu.memory_space<vmem>>[vector<16xi32>, vector<16xi32>], vector<16xf32>,
        %get3A_431 = arith.index_cast %scan3A_420 : i32 to index
        %get3A_432 = arith.constant 16 : index
        %get3A_433 = tpu.vector_load %arg6[%get3A_431, %get3A_432] {strides = array<i32>} : memref<256x128xf32, #tpu.memory_space<vmem>>, vector<16xf32>,
        %mul3A_434 = arith.constant 5.65685415 : f32
        %mul3A_435 = vector.broadcast %mul3A_434 : f32 to vector<16xf32>
        %mul3A_436 = arith.mulf %get3A_433, %mul3A_435 : vector<16xf32>
        tpu.vector_store_idx %arg8[%add3A_9, %add3A_424], %mul3A_436 : memref<32x259xf32, #tpu.memory_space<vmem>>[vector<16xi32>, vector<16xi32>], vector<16xf32>,
        %scan3A_437 = arith.constant 7 : i32
        %scan3A_438 = arith.addi %scan3A_314, %scan3A_437 : i32
        %broadcast_in_dim3A_439 = arith.constant 0 : i32
        %broadcast_in_dim3A_440 = vector.broadcast %broadcast_in_dim3A_439 : i32 to vector<16xi32>
        %add3A_441 = vector.broadcast %scan3A_438 : i32 to vector<16xi32>
        %add3A_442 = arith.addi %broadcast_in_dim3A_440, %add3A_441 : vector<16xi32>
        %get3A_443 = arith.index_cast %scan3A_438 : i32 to index
        %get3A_444 = arith.constant 0 : index
        %get3A_445 = tpu.vector_load %arg6[%get3A_443, %get3A_444] {strides = array<i32>} : memref<256x128xf32, #tpu.memory_space<vmem>>, vector<16xf32>,
        %mul3A_446 = arith.constant 5.65685415 : f32
        %mul3A_447 = vector.broadcast %mul3A_446 : f32 to vector<16xf32>
        %mul3A_448 = arith.mulf %get3A_445, %mul3A_447 : vector<16xf32>
        tpu.vector_store_idx %arg8[%add3A_5, %add3A_442], %mul3A_448 : memref<32x259xf32, #tpu.memory_space<vmem>>[vector<16xi32>, vector<16xi32>], vector<16xf32>,
        %get3A_449 = arith.index_cast %scan3A_438 : i32 to index
        %get3A_450 = arith.constant 16 : index
        %get3A_451 = tpu.vector_load %arg6[%get3A_449, %get3A_450] {strides = array<i32>} : memref<256x128xf32, #tpu.memory_space<vmem>>, vector<16xf32>,
        %mul3A_452 = arith.constant 5.65685415 : f32
        %mul3A_453 = vector.broadcast %mul3A_452 : f32 to vector<16xf32>
        %mul3A_454 = arith.mulf %get3A_451, %mul3A_453 : vector<16xf32>
        tpu.vector_store_idx %arg8[%add3A_9, %add3A_442], %mul3A_454 : memref<32x259xf32, #tpu.memory_space<vmem>>[vector<16xi32>, vector<16xi32>], vector<16xf32>,
      }
      %scan3A_140 = arith.constant 256 : i32
      %jit3A_141 = arith.constant 2 : i32
      %div3A_142 = arith.divsi %mul3A_46, %jit3A_141 : i32
      %sign3A_143 = arith.constant 0 : i32
      %sign3A_144 = arith.cmpi sgt, %mul3A_46, %sign3A_143 : i32
      %sign3A_145 = arith.extui %sign3A_144 : i1 to i32
      %sign3A_146 = arith.constant 0 : i32
      %sign3A_147 = arith.cmpi slt, %mul3A_46, %sign3A_146 : i32
      %sign3A_148 = arith.extui %sign3A_147 : i1 to i32
      %sign3A_149 = arith.subi %sign3A_145, %sign3A_148 : i32
      %sign3A_150 = arith.constant 0 : i32
      %sign3A_151 = arith.cmpi sgt, %jit3A_141, %sign3A_150 : i32
      %sign3A_152 = arith.extui %sign3A_151 : i1 to i32
      %sign3A_153 = arith.constant 0 : i32
      %sign3A_154 = arith.cmpi slt, %jit3A_141, %sign3A_153 : i32
      %sign3A_155 = arith.extui %sign3A_154 : i1 to i32
      %sign3A_156 = arith.subi %sign3A_152, %sign3A_155 : i32
      %ne3A_157 = arith.cmpi ne, %sign3A_149, %sign3A_156 : i32
      %rem3A_158 = arith.remsi %mul3A_46, %jit3A_141 : i32
      %ne3A_159 = arith.constant 0 : i32
      %ne3A_160 = arith.cmpi ne, %rem3A_158, %ne3A_159 : i32
      %and3A_161 = arith.andi %ne3A_157, %ne3A_160 : i1
      %sub3A_162 = arith.constant 1 : i32
      %sub3A_163 = arith.subi %div3A_142, %sub3A_162 : i32
      %select_n3A_164 = arith.select %and3A_161, %sub3A_163, %div3A_142 : i32
      %mul3A_165 = arith.constant 32 : i32
      %mul3A_166 = arith.muli %select_n3A_164, %mul3A_165 : i32
      %jit3A_167 = arith.constant 2 : i32
      %eq3A_168 = arith.constant 0 : i32
      %eq3A_169 = arith.cmpi eq, %jit3A_167, %eq3A_168 : i32
      %jit3A_170 = arith.constant 1 : i32
      %select_n3A_171 = arith.select %eq3A_169, %jit3A_170, %jit3A_167 : i32
      %rem3A_172 = arith.remsi %mul3A_46, %select_n3A_171 : i32
      %ne3A_173 = arith.constant 0 : i32
      %ne3A_174 = arith.cmpi ne, %rem3A_172, %ne3A_173 : i32
      %lt3A_175 = arith.constant 0 : i32
      %lt3A_176 = arith.cmpi slt, %rem3A_172, %lt3A_175 : i32
      %lt3A_177 = arith.constant 0 : i32
      %lt3A_178 = arith.cmpi slt, %select_n3A_171, %lt3A_177 : i32
      %ne3A_179 = arith.xori %lt3A_176, %lt3A_178 : i1
      %and3A_180 = arith.andi %ne3A_179, %ne3A_174 : i1
      %add3A_181 = arith.addi %rem3A_172, %select_n3A_171 : i32
      %select_n3A_182 = arith.select %and3A_180, %add3A_181, %rem3A_172 : i32
      %mul3A_183 = arith.constant 256 : i32
      %mul3A_184 = arith.muli %select_n3A_182, %mul3A_183 : i32
      %add3A_185 = arith.addi %mul3A_2, %mul3A_184 : i32
      %dma_start3A_186 = arith.constant 0 : i32
      %dma_start3A_187 = arith.constant 0 : i32
      %dma_start3A_188 = tpu.memref_slice %arg8[%dma_start3A_186, %dma_start3A_187] : memref<32x259xf32, #tpu.memory_space<vmem>> -> memref<32x256xf32, #tpu.memory_space<vmem>>
      %dma_start3A_189 = tpu.memref_slice %arg4[%mul3A_166, %add3A_185] : memref<1600x16384xf32, #tpu.memory_space<hbm>> -> memref<32x256xf32, #tpu.memory_space<hbm>>
      %dma_start3A_190 = tpu.memref_slice %arg4[%mul3A_166, %add3A_185] : memref<1600x16384xf32, #tpu.memory_space<hbm>> -> memref<32x256xf32, #tpu.memory_space<hbm>>
      %dma_start3A_191 = arith.constant 0 : i32
      %dma_start3A_192 = arith.constant 0 : i32
      %dma_start3A_193 = tpu.memref_slice %arg8[%dma_start3A_191, %dma_start3A_192] : memref<32x259xf32, #tpu.memory_space<vmem>> -> memref<32x256xf32, #tpu.memory_space<vmem>>
      tpu.enqueue_dma source(%dma_start3A_193 : memref<32x256xf32, #tpu.memory_space<vmem>>) target(%dma_start3A_190 : memref<32x256xf32, #tpu.memory_space<hbm>>) target_semaphore(%arg12 : memref<!tpu.dma_semaphore, #tpu.memory_space<semaphore_mem>>)
      %add3A_194 = arith.constant 2 : i32
      %add3A_195 = arith.addi %mul3A_46, %add3A_194 : i32
      %lt3A_196 = arith.constant 100 : i32
      %lt3A_197 = arith.cmpi slt, %add3A_195, %lt3A_196 : i32
      %convert_element_type3A_198 = arith.extui %lt3A_197 : i1 to i32
      %cond3A_199 = arith.constant 0 : i32
      %cond3A_200 = arith.cmpi ne, %convert_element_type3A_198, %cond3A_199 : i32
      scf.if %cond3A_200 {
        %add3A_314 = arith.constant 2 : i32
        %add3A_315 = arith.addi %mul3A_46, %add3A_314 : i32
        %jit3A_316 = arith.constant 2 : i32
        %div3A_317 = arith.divsi %add3A_315, %jit3A_316 : i32
        %sign3A_318 = arith.constant 0 : i32
        %sign3A_319 = arith.cmpi sgt, %add3A_315, %sign3A_318 : i32
        %sign3A_320 = arith.extui %sign3A_319 : i1 to i32
        %sign3A_321 = arith.constant 0 : i32
        %sign3A_322 = arith.cmpi slt, %add3A_315, %sign3A_321 : i32
        %sign3A_323 = arith.extui %sign3A_322 : i1 to i32
        %sign3A_324 = arith.subi %sign3A_320, %sign3A_323 : i32
        %sign3A_325 = arith.constant 0 : i32
        %sign3A_326 = arith.cmpi sgt, %jit3A_316, %sign3A_325 : i32
        %sign3A_327 = arith.extui %sign3A_326 : i1 to i32
        %sign3A_328 = arith.constant 0 : i32
        %sign3A_329 = arith.cmpi slt, %jit3A_316, %sign3A_328 : i32
        %sign3A_330 = arith.extui %sign3A_329 : i1 to i32
        %sign3A_331 = arith.subi %sign3A_327, %sign3A_330 : i32
        %ne3A_332 = arith.cmpi ne, %sign3A_324, %sign3A_331 : i32
        %rem3A_333 = arith.remsi %add3A_315, %jit3A_316 : i32
        %ne3A_334 = arith.constant 0 : i32
        %ne3A_335 = arith.cmpi ne, %rem3A_333, %ne3A_334 : i32
        %and3A_336 = arith.andi %ne3A_332, %ne3A_335 : i1
        %sub3A_337 = arith.constant 1 : i32
        %sub3A_338 = arith.subi %div3A_317, %sub3A_337 : i32
        %select_n3A_339 = arith.select %and3A_336, %sub3A_338, %div3A_317 : i32
        %jit3A_340 = arith.constant 2 : i32
        %eq3A_341 = arith.constant 0 : i32
        %eq3A_342 = arith.cmpi eq, %jit3A_340, %eq3A_341 : i32
        %jit3A_343 = arith.constant 1 : i32
        %select_n3A_344 = arith.select %eq3A_342, %jit3A_343, %jit3A_340 : i32
        %rem3A_345 = arith.remsi %add3A_315, %select_n3A_344 : i32
        %ne3A_346 = arith.constant 0 : i32
        %ne3A_347 = arith.cmpi ne, %rem3A_345, %ne3A_346 : i32
        %lt3A_348 = arith.constant 0 : i32
        %lt3A_349 = arith.cmpi slt, %rem3A_345, %lt3A_348 : i32
        %lt3A_350 = arith.constant 0 : i32
        %lt3A_351 = arith.cmpi slt, %select_n3A_344, %lt3A_350 : i32
        %ne3A_352 = arith.xori %lt3A_349, %lt3A_351 : i1
        %and3A_353 = arith.andi %ne3A_352, %ne3A_347 : i1
        %add3A_354 = arith.addi %rem3A_345, %select_n3A_344 : i32
        %select_n3A_355 = arith.select %and3A_353, %add3A_354, %rem3A_345 : i32
        %mul3A_356 = arith.constant 256 : i32
        %mul3A_357 = arith.muli %select_n3A_355, %mul3A_356 : i32
        %dma_start3A_358 = tpu.memref_slice %arg5[%select_n3A_339, %mul3A_357] : memref<50x512xi32, #tpu.memory_space<vmem>> -> memref<1x256xi32, #tpu.memory_space<vmem>>
        %dma_start3A_359 = tpu.memref_squeeze %dma_start3A_358 : memref<1x256xi32, #tpu.memory_space<vmem>> -> memref<256xi32, #tpu.memory_space<vmem>>
        %dma_start3A_360 = arith.constant 0 : i32
        %dma_start3A_361 = arith.constant 0 : i32
        %dma_start3A_362 = tpu.memref_slice %arg2[%dma_start3A_360, %dma_start3A_361] : memref<1000000x128xf32, #tpu.memory_space<hbm>> -> memref<1000000x128xf32, #tpu.memory_space<hbm>>
        tpu.enqueue_indirect_dma source(%dma_start3A_362 : memref<1000000x128xf32, #tpu.memory_space<hbm>>) target(%arg6 : memref<256x128xf32, #tpu.memory_space<vmem>>) offsets(%dma_start3A_359 : memref<256xi32, #tpu.memory_space<vmem>>) semaphore(%arg10 : memref<!tpu.dma_semaphore, #tpu.memory_space<semaphore_mem>>)
      } else {
      }
      %add3A_201 = arith.constant 1 : i32
      %add3A_202 = arith.addi %mul3A_46, %add3A_201 : i32
      %jit3A_203 = arith.constant 2 : i32
      %div3A_204 = arith.divsi %add3A_202, %jit3A_203 : i32
      %sign3A_205 = arith.constant 0 : i32
      %sign3A_206 = arith.cmpi sgt, %add3A_202, %sign3A_205 : i32
      %sign3A_207 = arith.extui %sign3A_206 : i1 to i32
      %sign3A_208 = arith.constant 0 : i32
      %sign3A_209 = arith.cmpi slt, %add3A_202, %sign3A_208 : i32
      %sign3A_210 = arith.extui %sign3A_209 : i1 to i32
      %sign3A_211 = arith.subi %sign3A_207, %sign3A_210 : i32
      %sign3A_212 = arith.constant 0 : i32
      %sign3A_213 = arith.cmpi sgt, %jit3A_203, %sign3A_212 : i32
      %sign3A_214 = arith.extui %sign3A_213 : i1 to i32
      %sign3A_215 = arith.constant 0 : i32
      %sign3A_216 = arith.cmpi slt, %jit3A_203, %sign3A_215 : i32
      %sign3A_217 = arith.extui %sign3A_216 : i1 to i32
      %sign3A_218 = arith.subi %sign3A_214, %sign3A_217 : i32
      %ne3A_219 = arith.cmpi ne, %sign3A_211, %sign3A_218 : i32
      %rem3A_220 = arith.remsi %add3A_202, %jit3A_203 : i32
      %ne3A_221 = arith.constant 0 : i32
      %ne3A_222 = arith.cmpi ne, %rem3A_220, %ne3A_221 : i32
      %and3A_223 = arith.andi %ne3A_219, %ne3A_222 : i1
      %sub3A_224 = arith.constant 1 : i32
      %sub3A_225 = arith.subi %div3A_204, %sub3A_224 : i32
      %select_n3A_226 = arith.select %and3A_223, %sub3A_225, %div3A_204 : i32
      %jit3A_227 = arith.constant 2 : i32
      %eq3A_228 = arith.constant 0 : i32
      %eq3A_229 = arith.cmpi eq, %jit3A_227, %eq3A_228 : i32
      %jit3A_230 = arith.constant 1 : i32
      %select_n3A_231 = arith.select %eq3A_229, %jit3A_230, %jit3A_227 : i32
      %rem3A_232 = arith.remsi %add3A_202, %select_n3A_231 : i32
      %ne3A_233 = arith.constant 0 : i32
      %ne3A_234 = arith.cmpi ne, %rem3A_232, %ne3A_233 : i32
      %lt3A_235 = arith.constant 0 : i32
      %lt3A_236 = arith.cmpi slt, %rem3A_232, %lt3A_235 : i32
      %lt3A_237 = arith.constant 0 : i32
      %lt3A_238 = arith.cmpi slt, %select_n3A_231, %lt3A_237 : i32
      %ne3A_239 = arith.xori %lt3A_236, %lt3A_238 : i1
      %and3A_240 = arith.andi %ne3A_239, %ne3A_234 : i1
      %add3A_241 = arith.addi %rem3A_232, %select_n3A_231 : i32
      %select_n3A_242 = arith.select %and3A_240, %add3A_241, %rem3A_232 : i32
      %mul3A_243 = arith.constant 256 : i32
      %mul3A_244 = arith.muli %select_n3A_242, %mul3A_243 : i32
      %dma_wait3A_245 = tpu.memref_slice %arg5[%select_n3A_226, %mul3A_244] : memref<50x512xi32, #tpu.memory_space<vmem>> -> memref<1x256xi32, #tpu.memory_space<vmem>>
      %dma_wait3A_246 = tpu.memref_squeeze %dma_wait3A_245 : memref<1x256xi32, #tpu.memory_space<vmem>> -> memref<256xi32, #tpu.memory_space<vmem>>
      %dma_wait3A_247 = arith.constant 0 : i32
      %dma_wait3A_248 = arith.constant 0 : i32
      %dma_wait3A_249 = tpu.memref_slice %arg2[%dma_wait3A_247, %dma_wait3A_248] : memref<1000000x128xf32, #tpu.memory_space<hbm>> -> memref<1000000x128xf32, #tpu.memory_space<hbm>>
      tpu.wait_indirect_dma semaphore(%arg11 : memref<!tpu.dma_semaphore, #tpu.memory_space<semaphore_mem>>) src(%dma_wait3A_249 : memref<1000000x128xf32, #tpu.memory_space<hbm>>) dst(%arg7 : memref<256x128xf32, #tpu.memory_space<vmem>>)
      %gt3A_250 = arith.constant 0 : i32
      %gt3A_251 = arith.cmpi sgt, %scan3A_44, %gt3A_250 : i32
      %convert_element_type3A_252 = arith.extui %gt3A_251 : i1 to i32
      %cond3A_253 = arith.constant 0 : i32
      %cond3A_254 = arith.cmpi ne, %convert_element_type3A_252, %cond3A_253 : i32
      scf.if %cond3A_254 {
        %sub3A_314 = arith.constant 2 : i32
        %sub3A_315 = arith.subi %add3A_202, %sub3A_314 : i32
        %jit3A_316 = arith.constant 2 : i32
        %div3A_317 = arith.divsi %sub3A_315, %jit3A_316 : i32
        %sign3A_318 = arith.constant 0 : i32
        %sign3A_319 = arith.cmpi sgt, %sub3A_315, %sign3A_318 : i32
        %sign3A_320 = arith.extui %sign3A_319 : i1 to i32
        %sign3A_321 = arith.constant 0 : i32
        %sign3A_322 = arith.cmpi slt, %sub3A_315, %sign3A_321 : i32
        %sign3A_323 = arith.extui %sign3A_322 : i1 to i32
        %sign3A_324 = arith.subi %sign3A_320, %sign3A_323 : i32
        %sign3A_325 = arith.constant 0 : i32
        %sign3A_326 = arith.cmpi sgt, %jit3A_316, %sign3A_325 : i32
        %sign3A_327 = arith.extui %sign3A_326 : i1 to i32
        %sign3A_328 = arith.constant 0 : i32
        %sign3A_329 = arith.cmpi slt, %jit3A_316, %sign3A_328 : i32
        %sign3A_330 = arith.extui %sign3A_329 : i1 to i32
        %sign3A_331 = arith.subi %sign3A_327, %sign3A_330 : i32
        %ne3A_332 = arith.cmpi ne, %sign3A_324, %sign3A_331 : i32
        %rem3A_333 = arith.remsi %sub3A_315, %jit3A_316 : i32
        %ne3A_334 = arith.constant 0 : i32
        %ne3A_335 = arith.cmpi ne, %rem3A_333, %ne3A_334 : i32
        %and3A_336 = arith.andi %ne3A_332, %ne3A_335 : i1
        %sub3A_337 = arith.constant 1 : i32
        %sub3A_338 = arith.subi %div3A_317, %sub3A_337 : i32
        %select_n3A_339 = arith.select %and3A_336, %sub3A_338, %div3A_317 : i32
        %mul3A_340 = arith.constant 32 : i32
        %mul3A_341 = arith.muli %select_n3A_339, %mul3A_340 : i32
        %jit3A_342 = arith.constant 2 : i32
        %eq3A_343 = arith.constant 0 : i32
        %eq3A_344 = arith.cmpi eq, %jit3A_342, %eq3A_343 : i32
        %jit3A_345 = arith.constant 1 : i32
        %select_n3A_346 = arith.select %eq3A_344, %jit3A_345, %jit3A_342 : i32
        %rem3A_347 = arith.remsi %sub3A_315, %select_n3A_346 : i32
        %ne3A_348 = arith.constant 0 : i32
        %ne3A_349 = arith.cmpi ne, %rem3A_347, %ne3A_348 : i32
        %lt3A_350 = arith.constant 0 : i32
        %lt3A_351 = arith.cmpi slt, %rem3A_347, %lt3A_350 : i32
        %lt3A_352 = arith.constant 0 : i32
        %lt3A_353 = arith.cmpi slt, %select_n3A_346, %lt3A_352 : i32
        %ne3A_354 = arith.xori %lt3A_351, %lt3A_353 : i1
        %and3A_355 = arith.andi %ne3A_354, %ne3A_349 : i1
        %add3A_356 = arith.addi %rem3A_347, %select_n3A_346 : i32
        %select_n3A_357 = arith.select %and3A_355, %add3A_356, %rem3A_347 : i32
        %mul3A_358 = arith.constant 256 : i32
        %mul3A_359 = arith.muli %select_n3A_357, %mul3A_358 : i32
        %add3A_360 = arith.addi %mul3A_2, %mul3A_359 : i32
        %dma_wait3A_361 = arith.constant 0 : i32
        %dma_wait3A_362 = arith.constant 0 : i32
        %dma_wait3A_363 = tpu.memref_slice %arg9[%dma_wait3A_361, %dma_wait3A_362] : memref<32x259xf32, #tpu.memory_space<vmem>> -> memref<32x256xf32, #tpu.memory_space<vmem>>
        %dma_wait3A_364 = tpu.memref_slice %arg4[%mul3A_341, %add3A_360] : memref<1600x16384xf32, #tpu.memory_space<hbm>> -> memref<32x256xf32, #tpu.memory_space<hbm>>
        %dma_wait3A_365 = tpu.memref_slice %arg4[%mul3A_341, %add3A_360] : memref<1600x16384xf32, #tpu.memory_space<hbm>> -> memref<32x256xf32, #tpu.memory_space<hbm>>
        %dma_wait3A_366 = arith.constant 0 : i32
        %dma_wait3A_367 = arith.constant 0 : i32
        %dma_wait3A_368 = tpu.memref_slice %arg9[%dma_wait3A_366, %dma_wait3A_367] : memref<32x259xf32, #tpu.memory_space<vmem>> -> memref<32x256xf32, #tpu.memory_space<vmem>>
        tpu.wait_dma2 semaphore(%arg13 : memref<!tpu.dma_semaphore, #tpu.memory_space<semaphore_mem>>) src(%dma_wait3A_368 : memref<32x256xf32, #tpu.memory_space<vmem>>) dst(%dma_wait3A_365 : memref<32x256xf32, #tpu.memory_space<hbm>>)
      } else {
      }
      %scan3A_255 = arith.constant 0 : i32
      %scan3A_256 = arith.constant 0 : i32
      %scan3A_257 = arith.constant 256 : i32
      %scan3A_258 = arith.addi %scan3A_256, %scan3A_257 : i32
      %scan3A_259 = arith.constant 8 : i32
      scf.for %scan3A_314 = %scan3A_256 to %scan3A_258 step %scan3A_259  : i32 {
        %broadcast_in_dim3A = arith.constant 0 : i32
        %broadcast_in_dim3A_315 = vector.broadcast %broadcast_in_dim3A : i32 to vector<16xi32>
        %add3A_316 = vector.broadcast %scan3A_314 : i32 to vector<16xi32>
        %add3A_317 = arith.addi %broadcast_in_dim3A_315, %add3A_316 : vector<16xi32>
        %get3A = arith.index_cast %scan3A_314 : i32 to index
        %get3A_318 = arith.constant 0 : index
        %get3A_319 = tpu.vector_load %arg7[%get3A, %get3A_318] {strides = array<i32>} : memref<256x128xf32, #tpu.memory_space<vmem>>, vector<16xf32>,
        %mul3A_320 = arith.constant 5.65685415 : f32
        %mul3A_321 = vector.broadcast %mul3A_320 : f32 to vector<16xf32>
        %mul3A_322 = arith.mulf %get3A_319, %mul3A_321 : vector<16xf32>
        tpu.vector_store_idx %arg9[%add3A_5, %add3A_317], %mul3A_322 : memref<32x259xf32, #tpu.memory_space<vmem>>[vector<16xi32>, vector<16xi32>], vector<16xf32>,
        %get3A_323 = arith.index_cast %scan3A_314 : i32 to index
        %get3A_324 = arith.constant 16 : index
        %get3A_325 = tpu.vector_load %arg7[%get3A_323, %get3A_324] {strides = array<i32>} : memref<256x128xf32, #tpu.memory_space<vmem>>, vector<16xf32>,
        %mul3A_326 = arith.constant 5.65685415 : f32
        %mul3A_327 = vector.broadcast %mul3A_326 : f32 to vector<16xf32>
        %mul3A_328 = arith.mulf %get3A_325, %mul3A_327 : vector<16xf32>
        tpu.vector_store_idx %arg9[%add3A_9, %add3A_317], %mul3A_328 : memref<32x259xf32, #tpu.memory_space<vmem>>[vector<16xi32>, vector<16xi32>], vector<16xf32>,
        %scan3A_329 = arith.constant 1 : i32
        %scan3A_330 = arith.addi %scan3A_314, %scan3A_329 : i32
        %broadcast_in_dim3A_331 = arith.constant 0 : i32
        %broadcast_in_dim3A_332 = vector.broadcast %broadcast_in_dim3A_331 : i32 to vector<16xi32>
        %add3A_333 = vector.broadcast %scan3A_330 : i32 to vector<16xi32>
        %add3A_334 = arith.addi %broadcast_in_dim3A_332, %add3A_333 : vector<16xi32>
        %get3A_335 = arith.index_cast %scan3A_330 : i32 to index
        %get3A_336 = arith.constant 0 : index
        %get3A_337 = tpu.vector_load %arg7[%get3A_335, %get3A_336] {strides = array<i32>} : memref<256x128xf32, #tpu.memory_space<vmem>>, vector<16xf32>,
        %mul3A_338 = arith.constant 5.65685415 : f32
        %mul3A_339 = vector.broadcast %mul3A_338 : f32 to vector<16xf32>
        %mul3A_340 = arith.mulf %get3A_337, %mul3A_339 : vector<16xf32>
        tpu.vector_store_idx %arg9[%add3A_5, %add3A_334], %mul3A_340 : memref<32x259xf32, #tpu.memory_space<vmem>>[vector<16xi32>, vector<16xi32>], vector<16xf32>,
        %get3A_341 = arith.index_cast %scan3A_330 : i32 to index
        %get3A_342 = arith.constant 16 : index
        %get3A_343 = tpu.vector_load %arg7[%get3A_341, %get3A_342] {strides = array<i32>} : memref<256x128xf32, #tpu.memory_space<vmem>>, vector<16xf32>,
        %mul3A_344 = arith.constant 5.65685415 : f32
        %mul3A_345 = vector.broadcast %mul3A_344 : f32 to vector<16xf32>
        %mul3A_346 = arith.mulf %get3A_343, %mul3A_345 : vector<16xf32>
        tpu.vector_store_idx %arg9[%add3A_9, %add3A_334], %mul3A_346 : memref<32x259xf32, #tpu.memory_space<vmem>>[vector<16xi32>, vector<16xi32>], vector<16xf32>,
        %scan3A_347 = arith.constant 2 : i32
        %scan3A_348 = arith.addi %scan3A_314, %scan3A_347 : i32
        %broadcast_in_dim3A_349 = arith.constant 0 : i32
        %broadcast_in_dim3A_350 = vector.broadcast %broadcast_in_dim3A_349 : i32 to vector<16xi32>
        %add3A_351 = vector.broadcast %scan3A_348 : i32 to vector<16xi32>
        %add3A_352 = arith.addi %broadcast_in_dim3A_350, %add3A_351 : vector<16xi32>
        %get3A_353 = arith.index_cast %scan3A_348 : i32 to index
        %get3A_354 = arith.constant 0 : index
        %get3A_355 = tpu.vector_load %arg7[%get3A_353, %get3A_354] {strides = array<i32>} : memref<256x128xf32, #tpu.memory_space<vmem>>, vector<16xf32>,
        %mul3A_356 = arith.constant 5.65685415 : f32
        %mul3A_357 = vector.broadcast %mul3A_356 : f32 to vector<16xf32>
        %mul3A_358 = arith.mulf %get3A_355, %mul3A_357 : vector<16xf32>
        tpu.vector_store_idx %arg9[%add3A_5, %add3A_352], %mul3A_358 : memref<32x259xf32, #tpu.memory_space<vmem>>[vector<16xi32>, vector<16xi32>], vector<16xf32>,
        %get3A_359 = arith.index_cast %scan3A_348 : i32 to index
        %get3A_360 = arith.constant 16 : index
        %get3A_361 = tpu.vector_load %arg7[%get3A_359, %get3A_360] {strides = array<i32>} : memref<256x128xf32, #tpu.memory_space<vmem>>, vector<16xf32>,
        %mul3A_362 = arith.constant 5.65685415 : f32
        %mul3A_363 = vector.broadcast %mul3A_362 : f32 to vector<16xf32>
        %mul3A_364 = arith.mulf %get3A_361, %mul3A_363 : vector<16xf32>
        tpu.vector_store_idx %arg9[%add3A_9, %add3A_352], %mul3A_364 : memref<32x259xf32, #tpu.memory_space<vmem>>[vector<16xi32>, vector<16xi32>], vector<16xf32>,
        %scan3A_365 = arith.constant 3 : i32
        %scan3A_366 = arith.addi %scan3A_314, %scan3A_365 : i32
        %broadcast_in_dim3A_367 = arith.constant 0 : i32
        %broadcast_in_dim3A_368 = vector.broadcast %broadcast_in_dim3A_367 : i32 to vector<16xi32>
        %add3A_369 = vector.broadcast %scan3A_366 : i32 to vector<16xi32>
        %add3A_370 = arith.addi %broadcast_in_dim3A_368, %add3A_369 : vector<16xi32>
        %get3A_371 = arith.index_cast %scan3A_366 : i32 to index
        %get3A_372 = arith.constant 0 : index
        %get3A_373 = tpu.vector_load %arg7[%get3A_371, %get3A_372] {strides = array<i32>} : memref<256x128xf32, #tpu.memory_space<vmem>>, vector<16xf32>,
        %mul3A_374 = arith.constant 5.65685415 : f32
        %mul3A_375 = vector.broadcast %mul3A_374 : f32 to vector<16xf32>
        %mul3A_376 = arith.mulf %get3A_373, %mul3A_375 : vector<16xf32>
        tpu.vector_store_idx %arg9[%add3A_5, %add3A_370], %mul3A_376 : memref<32x259xf32, #tpu.memory_space<vmem>>[vector<16xi32>, vector<16xi32>], vector<16xf32>,
        %get3A_377 = arith.index_cast %scan3A_366 : i32 to index
        %get3A_378 = arith.constant 16 : index
        %get3A_379 = tpu.vector_load %arg7[%get3A_377, %get3A_378] {strides = array<i32>} : memref<256x128xf32, #tpu.memory_space<vmem>>, vector<16xf32>,
        %mul3A_380 = arith.constant 5.65685415 : f32
        %mul3A_381 = vector.broadcast %mul3A_380 : f32 to vector<16xf32>
        %mul3A_382 = arith.mulf %get3A_379, %mul3A_381 : vector<16xf32>
        tpu.vector_store_idx %arg9[%add3A_9, %add3A_370], %mul3A_382 : memref<32x259xf32, #tpu.memory_space<vmem>>[vector<16xi32>, vector<16xi32>], vector<16xf32>,
        %scan3A_383 = arith.constant 4 : i32
        %scan3A_384 = arith.addi %scan3A_314, %scan3A_383 : i32
        %broadcast_in_dim3A_385 = arith.constant 0 : i32
        %broadcast_in_dim3A_386 = vector.broadcast %broadcast_in_dim3A_385 : i32 to vector<16xi32>
        %add3A_387 = vector.broadcast %scan3A_384 : i32 to vector<16xi32>
        %add3A_388 = arith.addi %broadcast_in_dim3A_386, %add3A_387 : vector<16xi32>
        %get3A_389 = arith.index_cast %scan3A_384 : i32 to index
        %get3A_390 = arith.constant 0 : index
        %get3A_391 = tpu.vector_load %arg7[%get3A_389, %get3A_390] {strides = array<i32>} : memref<256x128xf32, #tpu.memory_space<vmem>>, vector<16xf32>,
        %mul3A_392 = arith.constant 5.65685415 : f32
        %mul3A_393 = vector.broadcast %mul3A_392 : f32 to vector<16xf32>
        %mul3A_394 = arith.mulf %get3A_391, %mul3A_393 : vector<16xf32>
        tpu.vector_store_idx %arg9[%add3A_5, %add3A_388], %mul3A_394 : memref<32x259xf32, #tpu.memory_space<vmem>>[vector<16xi32>, vector<16xi32>], vector<16xf32>,
        %get3A_395 = arith.index_cast %scan3A_384 : i32 to index
        %get3A_396 = arith.constant 16 : index
        %get3A_397 = tpu.vector_load %arg7[%get3A_395, %get3A_396] {strides = array<i32>} : memref<256x128xf32, #tpu.memory_space<vmem>>, vector<16xf32>,
        %mul3A_398 = arith.constant 5.65685415 : f32
        %mul3A_399 = vector.broadcast %mul3A_398 : f32 to vector<16xf32>
        %mul3A_400 = arith.mulf %get3A_397, %mul3A_399 : vector<16xf32>
        tpu.vector_store_idx %arg9[%add3A_9, %add3A_388], %mul3A_400 : memref<32x259xf32, #tpu.memory_space<vmem>>[vector<16xi32>, vector<16xi32>], vector<16xf32>,
        %scan3A_401 = arith.constant 5 : i32
        %scan3A_402 = arith.addi %scan3A_314, %scan3A_401 : i32
        %broadcast_in_dim3A_403 = arith.constant 0 : i32
        %broadcast_in_dim3A_404 = vector.broadcast %broadcast_in_dim3A_403 : i32 to vector<16xi32>
        %add3A_405 = vector.broadcast %scan3A_402 : i32 to vector<16xi32>
        %add3A_406 = arith.addi %broadcast_in_dim3A_404, %add3A_405 : vector<16xi32>
        %get3A_407 = arith.index_cast %scan3A_402 : i32 to index
        %get3A_408 = arith.constant 0 : index
        %get3A_409 = tpu.vector_load %arg7[%get3A_407, %get3A_408] {strides = array<i32>} : memref<256x128xf32, #tpu.memory_space<vmem>>, vector<16xf32>,
        %mul3A_410 = arith.constant 5.65685415 : f32
        %mul3A_411 = vector.broadcast %mul3A_410 : f32 to vector<16xf32>
        %mul3A_412 = arith.mulf %get3A_409, %mul3A_411 : vector<16xf32>
        tpu.vector_store_idx %arg9[%add3A_5, %add3A_406], %mul3A_412 : memref<32x259xf32, #tpu.memory_space<vmem>>[vector<16xi32>, vector<16xi32>], vector<16xf32>,
        %get3A_413 = arith.index_cast %scan3A_402 : i32 to index
        %get3A_414 = arith.constant 16 : index
        %get3A_415 = tpu.vector_load %arg7[%get3A_413, %get3A_414] {strides = array<i32>} : memref<256x128xf32, #tpu.memory_space<vmem>>, vector<16xf32>,
        %mul3A_416 = arith.constant 5.65685415 : f32
        %mul3A_417 = vector.broadcast %mul3A_416 : f32 to vector<16xf32>
        %mul3A_418 = arith.mulf %get3A_415, %mul3A_417 : vector<16xf32>
        tpu.vector_store_idx %arg9[%add3A_9, %add3A_406], %mul3A_418 : memref<32x259xf32, #tpu.memory_space<vmem>>[vector<16xi32>, vector<16xi32>], vector<16xf32>,
        %scan3A_419 = arith.constant 6 : i32
        %scan3A_420 = arith.addi %scan3A_314, %scan3A_419 : i32
        %broadcast_in_dim3A_421 = arith.constant 0 : i32
        %broadcast_in_dim3A_422 = vector.broadcast %broadcast_in_dim3A_421 : i32 to vector<16xi32>
        %add3A_423 = vector.broadcast %scan3A_420 : i32 to vector<16xi32>
        %add3A_424 = arith.addi %broadcast_in_dim3A_422, %add3A_423 : vector<16xi32>
        %get3A_425 = arith.index_cast %scan3A_420 : i32 to index
        %get3A_426 = arith.constant 0 : index
        %get3A_427 = tpu.vector_load %arg7[%get3A_425, %get3A_426] {strides = array<i32>} : memref<256x128xf32, #tpu.memory_space<vmem>>, vector<16xf32>,
        %mul3A_428 = arith.constant 5.65685415 : f32
        %mul3A_429 = vector.broadcast %mul3A_428 : f32 to vector<16xf32>
        %mul3A_430 = arith.mulf %get3A_427, %mul3A_429 : vector<16xf32>
        tpu.vector_store_idx %arg9[%add3A_5, %add3A_424], %mul3A_430 : memref<32x259xf32, #tpu.memory_space<vmem>>[vector<16xi32>, vector<16xi32>], vector<16xf32>,
        %get3A_431 = arith.index_cast %scan3A_420 : i32 to index
        %get3A_432 = arith.constant 16 : index
        %get3A_433 = tpu.vector_load %arg7[%get3A_431, %get3A_432] {strides = array<i32>} : memref<256x128xf32, #tpu.memory_space<vmem>>, vector<16xf32>,
        %mul3A_434 = arith.constant 5.65685415 : f32
        %mul3A_435 = vector.broadcast %mul3A_434 : f32 to vector<16xf32>
        %mul3A_436 = arith.mulf %get3A_433, %mul3A_435 : vector<16xf32>
        tpu.vector_store_idx %arg9[%add3A_9, %add3A_424], %mul3A_436 : memref<32x259xf32, #tpu.memory_space<vmem>>[vector<16xi32>, vector<16xi32>], vector<16xf32>,
        %scan3A_437 = arith.constant 7 : i32
        %scan3A_438 = arith.addi %scan3A_314, %scan3A_437 : i32
        %broadcast_in_dim3A_439 = arith.constant 0 : i32
        %broadcast_in_dim3A_440 = vector.broadcast %broadcast_in_dim3A_439 : i32 to vector<16xi32>
        %add3A_441 = vector.broadcast %scan3A_438 : i32 to vector<16xi32>
        %add3A_442 = arith.addi %broadcast_in_dim3A_440, %add3A_441 : vector<16xi32>
        %get3A_443 = arith.index_cast %scan3A_438 : i32 to index
        %get3A_444 = arith.constant 0 : index
        %get3A_445 = tpu.vector_load %arg7[%get3A_443, %get3A_444] {strides = array<i32>} : memref<256x128xf32, #tpu.memory_space<vmem>>, vector<16xf32>,
        %mul3A_446 = arith.constant 5.65685415 : f32
        %mul3A_447 = vector.broadcast %mul3A_446 : f32 to vector<16xf32>
        %mul3A_448 = arith.mulf %get3A_445, %mul3A_447 : vector<16xf32>
        tpu.vector_store_idx %arg9[%add3A_5, %add3A_442], %mul3A_448 : memref<32x259xf32, #tpu.memory_space<vmem>>[vector<16xi32>, vector<16xi32>], vector<16xf32>,
        %get3A_449 = arith.index_cast %scan3A_438 : i32 to index
        %get3A_450 = arith.constant 16 : index
        %get3A_451 = tpu.vector_load %arg7[%get3A_449, %get3A_450] {strides = array<i32>} : memref<256x128xf32, #tpu.memory_space<vmem>>, vector<16xf32>,
        %mul3A_452 = arith.constant 5.65685415 : f32
        %mul3A_453 = vector.broadcast %mul3A_452 : f32 to vector<16xf32>
        %mul3A_454 = arith.mulf %get3A_451, %mul3A_453 : vector<16xf32>
        tpu.vector_store_idx %arg9[%add3A_9, %add3A_442], %mul3A_454 : memref<32x259xf32, #tpu.memory_space<vmem>>[vector<16xi32>, vector<16xi32>], vector<16xf32>,
      }
      %scan3A_260 = arith.constant 256 : i32
      %jit3A_261 = arith.constant 2 : i32
      %div3A_262 = arith.divsi %add3A_202, %jit3A_261 : i32
      %sign3A_263 = arith.constant 0 : i32
      %sign3A_264 = arith.cmpi sgt, %add3A_202, %sign3A_263 : i32
      %sign3A_265 = arith.extui %sign3A_264 : i1 to i32
      %sign3A_266 = arith.constant 0 : i32
      %sign3A_267 = arith.cmpi slt, %add3A_202, %sign3A_266 : i32
      %sign3A_268 = arith.extui %sign3A_267 : i1 to i32
      %sign3A_269 = arith.subi %sign3A_265, %sign3A_268 : i32
      %sign3A_270 = arith.constant 0 : i32
      %sign3A_271 = arith.cmpi sgt, %jit3A_261, %sign3A_270 : i32
      %sign3A_272 = arith.extui %sign3A_271 : i1 to i32
      %sign3A_273 = arith.constant 0 : i32
      %sign3A_274 = arith.cmpi slt, %jit3A_261, %sign3A_273 : i32
      %sign3A_275 = arith.extui %sign3A_274 : i1 to i32
      %sign3A_276 = arith.subi %sign3A_272, %sign3A_275 : i32
      %ne3A_277 = arith.cmpi ne, %sign3A_269, %sign3A_276 : i32
      %rem3A_278 = arith.remsi %add3A_202, %jit3A_261 : i32
      %ne3A_279 = arith.constant 0 : i32
      %ne3A_280 = arith.cmpi ne, %rem3A_278, %ne3A_279 : i32
      %and3A_281 = arith.andi %ne3A_277, %ne3A_280 : i1
      %sub3A_282 = arith.constant 1 : i32
      %sub3A_283 = arith.subi %div3A_262, %sub3A_282 : i32
      %select_n3A_284 = arith.select %and3A_281, %sub3A_283, %div3A_262 : i32
      %mul3A_285 = arith.constant 32 : i32
      %mul3A_286 = arith.muli %select_n3A_284, %mul3A_285 : i32
      %jit3A_287 = arith.constant 2 : i32
      %eq3A_288 = arith.constant 0 : i32
      %eq3A_289 = arith.cmpi eq, %jit3A_287, %eq3A_288 : i32
      %jit3A_290 = arith.constant 1 : i32
      %select_n3A_291 = arith.select %eq3A_289, %jit3A_290, %jit3A_287 : i32
      %rem3A_292 = arith.remsi %add3A_202, %select_n3A_291 : i32
      %ne3A_293 = arith.constant 0 : i32
      %ne3A_294 = arith.cmpi ne, %rem3A_292, %ne3A_293 : i32
      %lt3A_295 = arith.constant 0 : i32
      %lt3A_296 = arith.cmpi slt, %rem3A_292, %lt3A_295 : i32
      %lt3A_297 = arith.constant 0 : i32
      %lt3A_298 = arith.cmpi slt, %select_n3A_291, %lt3A_297 : i32
      %ne3A_299 = arith.xori %lt3A_296, %lt3A_298 : i1
      %and3A_300 = arith.andi %ne3A_299, %ne3A_294 : i1
      %add3A_301 = arith.addi %rem3A_292, %select_n3A_291 : i32
      %select_n3A_302 = arith.select %and3A_300, %add3A_301, %rem3A_292 : i32
      %mul3A_303 = arith.constant 256 : i32
      %mul3A_304 = arith.muli %select_n3A_302, %mul3A_303 : i32
      %add3A_305 = arith.addi %mul3A_2, %mul3A_304 : i32
      %dma_start3A_306 = arith.constant 0 : i32
      %dma_start3A_307 = arith.constant 0 : i32
      %dma_start3A_308 = tpu.memref_slice %arg9[%dma_start3A_306, %dma_start3A_307] : memref<32x259xf32, #tpu.memory_space<vmem>> -> memref<32x256xf32, #tpu.memory_space<vmem>>
      %dma_start3A_309 = tpu.memref_slice %arg4[%mul3A_286, %add3A_305] : memref<1600x16384xf32, #tpu.memory_space<hbm>> -> memref<32x256xf32, #tpu.memory_space<hbm>>
      %dma_start3A_310 = tpu.memref_slice %arg4[%mul3A_286, %add3A_305] : memref<1600x16384xf32, #tpu.memory_space<hbm>> -> memref<32x256xf32, #tpu.memory_space<hbm>>
      %dma_start3A_311 = arith.constant 0 : i32
      %dma_start3A_312 = arith.constant 0 : i32
      %dma_start3A_313 = tpu.memref_slice %arg9[%dma_start3A_311, %dma_start3A_312] : memref<32x259xf32, #tpu.memory_space<vmem>> -> memref<32x256xf32, #tpu.memory_space<vmem>>
      tpu.enqueue_dma source(%dma_start3A_313 : memref<32x256xf32, #tpu.memory_space<vmem>>) target(%dma_start3A_310 : memref<32x256xf32, #tpu.memory_space<hbm>>) target_semaphore(%arg13 : memref<!tpu.dma_semaphore, #tpu.memory_space<semaphore_mem>>)
    }
    %scan3A_20 = arith.constant 50 : i32
    %add3A_21 = arith.constant 0 : i32
    %add3A_22 = arith.addi %mul3A_2, %add3A_21 : i32
    %dma_wait3A = arith.constant 0 : i32
    %dma_wait3A_23 = arith.constant 0 : i32
    %dma_wait3A_24 = tpu.memref_slice %arg8[%dma_wait3A, %dma_wait3A_23] : memref<32x259xf32, #tpu.memory_space<vmem>> -> memref<32x256xf32, #tpu.memory_space<vmem>>
    %dma_wait3A_25 = arith.constant 1568 : i32
    %dma_wait3A_26 = tpu.memref_slice %arg4[%dma_wait3A_25, %add3A_22] : memref<1600x16384xf32, #tpu.memory_space<hbm>> -> memref<32x256xf32, #tpu.memory_space<hbm>>
    %dma_wait3A_27 = arith.constant 1568 : i32
    %dma_wait3A_28 = tpu.memref_slice %arg4[%dma_wait3A_27, %add3A_22] : memref<1600x16384xf32, #tpu.memory_space<hbm>> -> memref<32x256xf32, #tpu.memory_space<hbm>>
    %dma_wait3A_29 = arith.constant 0 : i32
    %dma_wait3A_30 = arith.constant 0 : i32
    %dma_wait3A_31 = tpu.memref_slice %arg8[%dma_wait3A_29, %dma_wait3A_30] : memref<32x259xf32, #tpu.memory_space<vmem>> -> memref<32x256xf32, #tpu.memory_space<vmem>>
    tpu.wait_dma2 semaphore(%arg12 : memref<!tpu.dma_semaphore, #tpu.memory_space<semaphore_mem>>) src(%dma_wait3A_31 : memref<32x256xf32, #tpu.memory_space<vmem>>) dst(%dma_wait3A_28 : memref<32x256xf32, #tpu.memory_space<hbm>>)
    %add3A_32 = arith.constant 256 : i32
    %add3A_33 = arith.addi %mul3A_2, %add3A_32 : i32
    %dma_wait3A_34 = arith.constant 0 : i32
    %dma_wait3A_35 = arith.constant 0 : i32
    %dma_wait3A_36 = tpu.memref_slice %arg9[%dma_wait3A_34, %dma_wait3A_35] : memref<32x259xf32, #tpu.memory_space<vmem>> -> memref<32x256xf32, #tpu.memory_space<vmem>>
    %dma_wait3A_37 = arith.constant 1568 : i32
    %dma_wait3A_38 = tpu.memref_slice %arg4[%dma_wait3A_37, %add3A_33] : memref<1600x16384xf32, #tpu.memory_space<hbm>> -> memref<32x256xf32, #tpu.memory_space<hbm>>
    %dma_wait3A_39 = arith.constant 1568 : i32
    %dma_wait3A_40 = tpu.memref_slice %arg4[%dma_wait3A_39, %add3A_33] : memref<1600x16384xf32, #tpu.memory_space<hbm>> -> memref<32x256xf32, #tpu.memory_space<hbm>>
    %dma_wait3A_41 = arith.constant 0 : i32
    %dma_wait3A_42 = arith.constant 0 : i32
    %dma_wait3A_43 = tpu.memref_slice %arg9[%dma_wait3A_41, %dma_wait3A_42] : memref<32x259xf32, #tpu.memory_space<vmem>> -> memref<32x256xf32, #tpu.memory_space<vmem>>
    tpu.wait_dma2 semaphore(%arg13 : memref<!tpu.dma_semaphore, #tpu.memory_space<semaphore_mem>>) src(%dma_wait3A_43 : memref<32x256xf32, #tpu.memory_space<vmem>>) dst(%dma_wait3A_40 : memref<32x256xf32, #tpu.memory_space<hbm>>)
    return
  }
}

</mosaic_0001>

<sc_bundles>
// kernel: kernel.3.cloned.1.call-start
scs
__scs_entry_jumppad:
0x0: {  	(pc) =	sbr.rel $0x88, $3  }
0x1: {  	(tag) =	ssettag $0x0;
	lr =	simm.s32 $0x1  }
0x2: {  	[smem:$0x3F9F] =	sst lr;
	_ =	strace $0xD0000000  }
0x3: {  	_ = 	snop  }
0x4: {  	_ = 	snop  }
0x5: {  	_ = 	snop  }
0x6: {  	_ = 	snop  }
0x7: {  	_ = 	snop  }
__scs_overlays_trampoline_lowered:
0x8: {  	[smem:$0x3FAE] =	sst s0  }
0x9: {  	[smem:$0x3FAF] =	sst s1  }
0xa: {  	[smem:$0x3FB0] =	sst s2  }
0xb: {  	[smem:$0x3FB1] =	sst s3  }
0xc: {  	[smem:$0x3FB2] =	sst s4  }
0xd: {  	[smem:$0x3FB3] =	sst s5  }
0xe: {  	[smem:$0x3FB4] =	sst s6  }
0xf: {  	[smem:$0x3FB5] =	sst s7  }
0x10: {  	[smem:$0x3FB6] =	sst s8  }
0x11: {  	[smem:$0x3FB7] =	sst s9;
	s0 =	simm.s32 @!p0 $0x0  }
0x12: {  	s1 =	sld [smem:$0x3F9D];
	s0 =	simm.s32 @p0 $0x1  }
0x13: {  	[smem:$0x3FB8] =	sst s0;
	s0 =	simm.s32 @!p1 $0x0  }
0x14: {  	s2 =	sld [smem:$0x3F9C];
	s0 =	simm.s32 @p1 $0x1  }
0x15: {  	[smem:$0x3FB9] =	sst s0;
	s0 =	simm.s32 @!p2 $0x0  }
0x16: {  	s3 =	sld [smem:$0x3FDB];
	s0 =	simm.s32 @p2 $0x1  }
0x17: {  	s4 =	simm.s32 $0x1BF5;
	[smem:$0x3FBB] =	sst s0  }
0x18: {  	s0 =	sld [smem:$0x3F9E];
	_ =	swait.ge [sflag:s4], $0x0  }
0x19: {  	s7 =	sld [smem:$0x3F9F]  }
0x1a: {  	s8 =	sadd.s32 $0xFFFFE003, lr  }
0x1b: {  	s9 =	sadd.s32 $0xFFFFFEF7, lr;
	s5 =	simm.s32 $0xFFFFFFFF;
	p2 =	slt.u32 s8, $0xFFFFF086  }
0x1c: {  	p1 =	slt.u32 s9, $0xF7A;
	s5 =	simm.s32 @!p2 $0x0  }
0x1d: {  	s5 =	simm.s32 @p1 $0x1;
	p0 =	seq.s32 s7, s2  }
0x1e: {  	s7 =	smul.u32 @!p0 $0xF7A, s2;
	p2 =	seq.s32 @!p0 s5, $0x0  }
0x1f: {  	s9 =	smul.u32 $0xF7A, s1;
	s8 =	simm.s32 @!p0 $0x1BF5;
	p2 =	por !p2, p0  }
0x20: {  	[sflag:s8] =	ssyncset.s32 @!p0 $0xFFFFF086;
	s6 =	sadd.s32 @!p0 s3, s7;
	s7 =	simm.s32 @!p0 $0x108  }
0x21: {  	s3 =	sadd.s32 s3, s9;
	s6 =	sadd.s32 @!p0 $0x88, s6;
	s7 =	simm.s32 @p2 $0x1082  }
0x22: {  	[simem:s7], [sflag:s8] =	dma.local @!p0 [hbm:s6], $0xF7A  }
0x23: {  	s9 =	sor.u32 $0xD0000000, s2;
	s6 =	simm.s32 $0x108;
	_ =	swait.ge @!p0 [sflag:s8], $0x0  }
0x24: {  	s3 =	sadd.s32 $0x88, s3;
	s6 =	simm.s32 @!p1 $0x1082;
	[sflag:s4] =	ssyncset.s32 $0xFFFFF086  }
0x25: {  	[simem:s6], [sflag:s4] =	dma.local [hbm:s3], $0xF7A  }
0x26: {  	[smem:$0x3F9F] =	sst s1;
	(tag) =	ssettag s2;
	_ =	strace s9  }
0x27: {  	s1 =	sld [smem:$0x3FAF]  }
0x28: {  	s2 =	sld [smem:$0x3FB0]  }
0x29: {  	s4 =	sld [smem:$0x3FB2]  }
0x2a: {  	p0 =	seq.s32 s5, $0x0;
	s5 =	sld [smem:$0x3FB3]  }
0x2b: {  	s6 =	sld [smem:$0x3FB4]  }
0x2c: {  	s7 =	sld [smem:$0x3FB5]  }
0x2d: {  	s3 =	simm.s32 $0x108;
	s8 =	sld [smem:$0x3FB6]  }
0x2e: {  	s3 =	simm.s32 @!p0 $0x1082;
	s9 =	sld [smem:$0x3FB7]  }
0x2f: {  	lr =	sadd.s32 s0, s3;
	s0 =	sld [smem:$0x3FAE]  }
0x30: {  	s3 =	sld [smem:$0x3FB1]  }
0x31: {  	[smem:$0x3FBA] =	sst s10  }
0x32: {  	s10 =	sld [smem:$0x3FB8];
	_ =	sdelay $0x3  }
0x33: {  	p0 =	seq.s32 s10, $0x1;
	s10 =	sld [smem:$0x3FBA];
	_ =	sdelay $0x3  }
0x34: {  	[smem:$0x3FBA] =	sst s10  }
0x35: {  	s10 =	sld [smem:$0x3FB9];
	_ =	sdelay $0x3  }
0x36: {  	p1 =	seq.s32 s10, $0x1;
	s10 =	sld [smem:$0x3FBA];
	_ =	sdelay $0x3  }
0x37: {  	[smem:$0x3FBA] =	sst s10  }
0x38: {  	s10 =	sld [smem:$0x3FBB]  }
0x39: {  	_ = 	snop;
	(pc) =	sbr.ind lr, $3  }
0x3a: {  	_ = 	snop  }
0x3b: {  	_ = 	snop  }
0x3c: {  	p2 =	seq.s32 s10, $0x1;
	s10 =	sld [smem:$0x3FBA]  }
0x3d: {  	_ =	shalt  }
0x3e: {  	_ =	shalt  }
0x3f: {  	_ =	shalt  }
0x40: {  	_ =	shalt  }
0x41: {  	_ =	shalt  }
0x42: {  	_ =	shalt  }
0x43: {  	_ =	shalt  }
0x44: {  	_ =	shalt  }
0x45: {  	_ =	shalt  }
0x46: {  	_ =	shalt  }
0x47: {  	_ =	shalt  }
0x48: {  	_ =	shalt  }
0x49: {  	_ =	shalt  }
0x4a: {  	_ =	shalt  }
0x4b: {  	_ =	shalt  }
0x4c: {  	_ =	shalt  }
0x4d: {  	_ =	shalt  }
0x4e: {  	_ =	shalt  }
0x4f: {  	_ =	shalt  }
0x50: {  	_ =	shalt  }
0x51: {  	_ =	shalt  }
0x52: {  	_ =	shalt  }
0x53: {  	_ =	shalt  }
0x54: {  	_ =	shalt  }
0x55: {  	_ =	shalt  }
0x56: {  	_ =	shalt  }
0x57: {  	_ =	shalt  }
0x58: {  	_ =	shalt  }
0x59: {  	_ =	shalt  }
0x5a: {  	_ =	shalt  }
0x5b: {  	_ =	shalt  }
0x5c: {  	_ =	shalt  }
0x5d: {  	_ =	shalt  }
0x5e: {  	_ =	shalt  }
0x5f: {  	_ =	shalt  }
0x60: {  	_ =	shalt  }
0x61: {  	_ =	shalt  }
0x62: {  	_ =	shalt  }
0x63: {  	_ =	shalt  }
0x64: {  	_ =	shalt  }
0x65: {  	_ =	shalt  }
0x66: {  	_ =	shalt  }
0x67: {  	_ =	shalt  }
0x68: {  	_ =	shalt  }
0x69: {  	_ =	shalt  }
0x6a: {  	_ =	shalt  }
0x6b: {  	_ =	shalt  }
0x6c: {  	_ =	shalt  }
0x6d: {  	_ =	shalt  }
0x6e: {  	_ =	shalt  }
0x6f: {  	_ =	shalt  }
0x70: {  	_ =	shalt  }
0x71: {  	_ =	shalt  }
0x72: {  	_ =	shalt  }
0x73: {  	_ =	shalt  }
0x74: {  	_ =	shalt  }
0x75: {  	_ =	shalt  }
0x76: {  	_ =	shalt  }
0x77: {  	_ =	shalt  }
0x78: {  	_ =	shalt  }
0x79: {  	_ =	shalt  }
0x7a: {  	_ =	shalt  }
0x7b: {  	_ =	shalt  }
0x7c: {  	_ =	shalt  }
0x7d: {  	_ =	shalt  }
0x7e: {  	_ =	shalt  }
0x7f: {  	_ =	shalt  }
0x80: {  	_ =	shalt  }
0x81: {  	_ =	shalt  }
0x82: {  	_ =	shalt  }
0x83: {  	_ =	shalt  }
0x84: {  	_ =	shalt  }
0x85: {  	_ =	shalt  }
0x86: {  	_ =	shalt  }
0x87: {  	_ =	shalt  }
.Lfunc_end0:
.L_simem_size_0:
called_computation_lowered:
.L_overlay_start_0:
0x88: {  	s2 =	sld [smem:$0x3FD9]  }
0x89: {  	s3 =	sld [smem:$0x3FFE];
	_ =	sdelay $0x1  }
0x8a: {  	s1 =	srdreg.scid  }
0x8b: {  	s0 =	sand.u32 $0x1, s1  }
0x8c: {  	s17 =	sshll.u32 s0, $0xA;
	s2 =	sadd.s32 s3, s2  }
0x8d: {  	s2 =	sadd.s32 s2, s17  }
0x8e: {  	[smem:$0x3FC6] =	sst s2  }
0x8f: {  	_ = 	snop  }
0x90: {  	s2 =	sld [smem:$0x3FD0];
	(tm) =	ssettm $0x1  }
0x91: {  	s18 =	sld [smem:$0x3FFB];
	_ =	sdelay $0x3  }
0x92: {  	_ =	strace s18  }
0x93: {  	s3 =	sld [smem:$0x3FFC];
	_ =	sdelay $0x3  }
0x94: {  	_ =	strace s3  }
0x95: {  	s3 =	sld [smem:$0x3FFD];
	_ =	sdelay $0x3  }
0x96: {  	_ =	strace s3  }
0x97: {  	_ =	strace $0x8FFFFFFF  }
0x98: {  	s19 =	sld [smem:$0x3FDB];
	_ =	sdelay $0x1  }
0x99: {  	s4 =	simm.s32 $_scs_section_size  }
0x9a: {  	s5 =	simm.s32 $_size__tile_overlayer_lowered;
	s6 =	simm.s32 $_tile_overlayer_lowered  }
0x9b: {  	s22 =	simm.s32 $0x1BFF;
	s21 =	sshll.u32 s6, $0x1;
	s3 =	sadd.s32 s4, s19  }
0x9c: {  	s7 =	simm.s32 $0x0;
	s20 =	sshll.u32 s5, $0x1;
	s5 =	sadd.s32 s21, s3  }
0x9d: {  	[timem:s7], [sflag:s22] =	dma.local [hbm:s5], s20  }
0x9e: {  	_ =	swait.ge [sflag:s22], s20  }
0x9f: {  	s4 =	ssub.s32 $0x0, s20;
	[sflag:s22] =	ssyncset.done $0x0  }
0xa0: {  	[sflag:s22] =	ssyncadd.s32 s4;
	_ =	sdelay $0x1  }
0xa1: {  	s23 =	simm.s32 $0x1B8B  }
0xa2: {  	_ =	swait.ge [sflag:s23], $0x1  }
0xa3: {  	[sflag:s23] =	ssyncset.done $0x0  }
0xa4: {  	s25 =	simm.s32 $0x1B8E;
	s24 =	sld [smem:$0x3FFE];
	[sflag:s23] =	ssyncadd.s32 $0xFFFFFFFF  }
0xa5: {  	s26 =	simm.s32 $execute0_lowered;
	[smem:$0x3FD2] =	sst s25  }
0xa6: {  	s5 =	sshll.u32 s26, $0x1;
	_ =	strace $0x80000046;
	[dreg:$0x1] =	wrdreg $0xFFFFFFFF  }
0xa7: {  	s28 =	simm.s32 $_size_execute0_lowered;
	s3 =	sadd.s32 s3, s5;
	[dreg:$0x0] =	wrdreg $0x0  }
0xa8: {  	s5 =	sshll.u32 s28, $0x1;
	[dreg:$0x2] =	wrdreg s3  }
0xa9: {  	[dreg:$0x3] =	wrdreg s5  }
0xaa: {  	[dreg:$0x4] =	wrdreg $0xC0  }
0xab: {  	_ =	task [dreg:s7], $0x5FFFF  }
0xac: {  	[dreg:$0x1] =	wrdreg $0xFFFFFFFF  }
0xad: {  	[dreg:$0x0] =	wrdreg $0x60  }
0xae: {  	[dreg:$0x2] =	wrdreg s24  }
0xaf: {  	[dreg:$0x3] =	wrdreg s2  }
0xb0: {  	[dreg:$0x4] =	wrdreg $0x9  }
0xb1: {  	_ =	task.clear_ibuf [dreg:s7], $0x5FFFF;
	_ =	strace $0x90000046  }
0xb2: {  	s29 =	simm.s32 $0x9;
	_ =	strace $0x80000048  }
0xb3: {  	_ =	swait.ge [sflag:s29], $0x1  }
0xb4: {  	[sflag:s29] =	ssyncadd.s32 $0xFFFFFFFF  }
0xb5: {  	_ =	strace $0x90000048  }
0xb6: {  	_ =	sfence  }
0xb7: {  	s30 =	sld [smem:$0x0];
	_ =	sdelay $0x2  }
0xb8: {  	s31 =	sshll.u32 s1, $0xD;
	s1 =	sshrl.u32 s1, $0x2  }
0xb9: {  	s3 =	sand.u32 $0x4000, s31;
	s1 =	sadd.s32 s1, s30  }
0xba: {  	s0 =	sor.u32 s3, s0;
	s1 =	sshll.u32 s1, $0x11  }
0xbb: {  	s0 =	sor.u32 s1, s0  }
0xbc: {  	s0 =	sadd.s32 $0x8F2B, s0  }
0xbd: {  	[sflag:s0] =	ssyncadd.remote.s32 $0x1  }
0xbe: {  	_ =	sfence.sel $0xFFFF  }
0xbf: {  	[dreg:$0x0] =	wrdreg $0xFFFFFFFF;
	(pc) =	sbr.abs _section_cstart, $3  }
0xc0: {  	[dreg:$0x1] =	wrdreg $0xFFFFFFFF  }
0xc1: {  	_ =	task.clear_ibuf [dreg:s7], $0x2FFFF;
	_ =	strace $0x9FFFFFFF  }
0xc2: {  	(tm) =	ssettm $0x7FFFFFFF  }
0xc3: {  	_ =	shalt  }
tec
execute0_lowered:
.L_overlay_start_1:
0x0: {  	(tag) =	ssettag $0x1  }
0x1: {  	s5 =	rddreg [dreg:$0x0]  }
0x2: {  	s6 =	rddreg [dreg:$0x1]  }
0x3: {  	s0 =	rddreg [dreg:$0x2]  }
0x4: {  	s2 =	simm.s32 $0x0;
	s3 =	srdreg.scid;
	s1 =	stileid.u32  }
0x5: {  	s10 =	simm.s32 $0x5;
	s11 =	simm.s32 $0x100;
	s12 =	simm.s32 $0x6400  }
0x6: {  	v0 =	vlaneseq.u32;
	s13 =	simm.s32 $0xE400;
	s14 =	simm.s32 $0x1;
	s15 =	simm.s32 $0x16400  }
0x7: {  	v1 =	vimm.s32 $0x0;
	vm0 =	vcmask $0x300;
	s16 =	simm.s32 $0x2;
	s17 =	simm.s32 $0x4;
	s18 =	simm.s32 $0x18500;
	v0 =	vmul.u32 $0x108, v0  }
0x8: {  	s19 =	simm.s32 $0x3;
	s20 =	simm.s32 $0x0;
	[smem:$0x7FF] =	sst s2;
	v1 =	vsel vm0, $0x3, v1  }
0x9: {  	s3 =	sand.u32 $0x1, s3;
	s4 =	sshll.u32 s1, $0xA;
	_ =	strace $0x80000047;
	v2 =	vadd.s32 $0x1080, v0;
	v3 =	vor.u32 $0x1, v0;
	v4 =	vadd.s32 $0x1081, v0  }
0xa: {  	s7 =	ssub.s32 $0x2, s3;
	s8 =	sshll.u32 s3, $0x9;
	s3 =	sadd.s32 $0xF42A00, s5;
	v5 =	vor.u32 $0x2, v0;
	v6 =	vadd.s32 $0x1082, v0;
	v7 =	vor.u32 $0x3, v0  }
0xb: {  	s5 =	sadd.s32 $0x600, s5;
	s9 =	sshrl.u32 s7, $0x1;
	s4 =	sor.u32 s8, s4;
	v8 =	vadd.s32 $0x1083, v0;
	v9 =	vor.u32 $0x4, v0;
	v10 =	vadd.s32 $0x1084, v0  }
0xc: {  	v11 =	vor.u32 $0x5, v0;
	v12 =	vadd.s32 $0x1085, v0;
	v13 =	vor.u32 $0x6, v0;
	s7 =	ssub.s32 s7, s9;
	s8 =	sshrl.u32 s4, $0x3;
	s9 =	simm.s32 $0x4000  }
0xd: {  	v14 =	vadd.s32 $0x1086, v0;
	v15 =	vor.u32 $0x7, v0;
	v16 =	vadd.s32 $0x1087, v0;
	s6 =	sadd.s32 s6, s8;
	s7 =	smax.u32 s7, $0x1;
	s8 =	simm.s32 $0x200  }
.LBB2_1:
0xe: {  	[tilespmem:s2], [sflag:$0x5] =	stream.strided.gather [hbm4b:s6+s8], $0x6400, s9, s8, $0x38;
	[tilespmem:$0x1A600] =	vst v63  }
0xf: {  	_ =	swait.ge [sflag:s10], $0x6400  }
0x10: {  	[sflag:s10] =	ssyncset.done $0x0  }
0x11: {  	s21 =	simm.s32 $0x0;
	[sflag:s10] =	ssyncadd.s32 $0xFFFF9C00  }
0x12: {  	[tilespmem:s12], [sflag:$0x1] =	stream.indirect.gather [hbm4b:s3+s11], $0x80, s2, s11, $0xb8;
	[tilespmem:$0x1A600] =	vst v63  }
.LBB2_2:
0x13: {  	s22 =	sshll.u32 s21, $0x9  }
0x14: {  	s23 =	sand.u32 $0x3FFFFE00, s22  }
0x15: {  	s22 =	sor.u32 $0x100, s23  }
0x16: {  	[tilespmem:s13], [sflag:$0x2] =	stream.indirect.gather [hbm4b:s3+s11], $0x80, s22, s11, $0xb8;
	[tilespmem:$0x1A600] =	vst v63  }
0x17: {  	_ =	swait.ge [sflag:s14], $0x8000  }
0x18: {  	p0 =	seq.s32 s21, $0x0;
	[sflag:s14] =	ssyncset.done $0x0  }
0x19: {  	s24 =	simm.s32 $0x0;
	s22 =	simm.s32 @!p0 $0x3;
	[sflag:s14] =	ssyncadd.s32 $0xFFFF8000  }
0x1a: {  	v17 =	vmov s24;
	_ =	swait.ge @!p0 [sflag:s22], $0x2000  }
0x1b: {  	v17 =	vshrl.u32 v17, $0x3;
	[sflag:s22] =	ssyncset.done @!p0 $0x0  }
0x1c: {  	v17 =	vshll.u32 v17, v1;
	[sflag:s22] =	ssyncadd.s32 @!p0 $0xFFFFE000;
	s22 =	simm.s32 $0x6600  }
0x1d: {  	v17 =	vbroadcast v17, $0x0;
	v18 =	vld [tilespmem:s22+$0xFFFFFE00];
	_ =	sdelay $0x1  }
0x1e: {  	v19 =	vadd.s32 v0, v17;
	_ =	sdelay $0x2  }
0x1f: {  	v18 =	vmul.f32 $5.656854150e+00, v18;
	_ =	sdelay $0x1  }
0x20: {  	[tilespmem:v19+s15+$0x0] =	vst.idx.msk $0xffff, v18  }
0x21: {  	v18 =	vld [tilespmem:s22+$0xFFFFFE10];
	_ =	sdelay $0x1  }
0x22: {  	v17 =	vadd.s32 v2, v17;
	_ =	sdelay $0x1  }
0x23: {  	s31 =	simm.s32 $0x1  }
0x24: {  	v19 =	vmov s31;
	v18 =	vmul.f32 $5.656854150e+00, v18  }
0x25: {  	v19 =	vshrl.u32 v19, $0x3  }
0x26: {  	[tilespmem:v17+s15+$0x0] =	vst.idx.msk $0xffff, v18;
	v17 =	vshll.u32 v19, v1  }
0x27: {  	v18 =	vld [tilespmem:s22+$0xFFFFFE80];
	v17 =	vbroadcast v17, $0x0;
	_ =	sdelay $0x1  }
0x28: {  	v19 =	vadd.s32 v3, v17;
	_ =	sdelay $0x2  }
0x29: {  	v18 =	vmul.f32 $5.656854150e+00, v18;
	_ =	sdelay $0x1  }
0x2a: {  	[tilespmem:v19+s15+$0x0] =	vst.idx.msk $0xffff, v18  }
0x2b: {  	v18 =	vld [tilespmem:s22+$0xFFFFFE90];
	_ =	sdelay $0x1  }
0x2c: {  	v17 =	vadd.s32 v4, v17;
	_ =	sdelay $0x1  }
0x2d: {  	s25 =	simm.s32 $0x2  }
0x2e: {  	v19 =	vmov s25;
	v18 =	vmul.f32 $5.656854150e+00, v18  }
0x2f: {  	v19 =	vshrl.u32 v19, $0x3  }
0x30: {  	[tilespmem:v17+s15+$0x0] =	vst.idx.msk $0xffff, v18;
	v17 =	vshll.u32 v19, v1  }
0x31: {  	v18 =	vld [tilespmem:s22+$0xFFFFFF00];
	v17 =	vbroadcast v17, $0x0;
	_ =	sdelay $0x1  }
0x32: {  	v19 =	vadd.s32 v5, v17;
	_ =	sdelay $0x2  }
0x33: {  	v18 =	vmul.f32 $5.656854150e+00, v18;
	_ =	sdelay $0x1  }
0x34: {  	[tilespmem:v19+s15+$0x0] =	vst.idx.msk $0xffff, v18  }
0x35: {  	v18 =	vld [tilespmem:s22+$0xFFFFFF10];
	_ =	sdelay $0x1  }
0x36: {  	v17 =	vadd.s32 v6, v17;
	_ =	sdelay $0x1  }
0x37: {  	s26 =	simm.s32 $0x3  }
0x38: {  	v19 =	vmov s26;
	v18 =	vmul.f32 $5.656854150e+00, v18  }
0x39: {  	v19 =	vshrl.u32 v19, $0x3  }
0x3a: {  	[tilespmem:v17+s15+$0x0] =	vst.idx.msk $0xffff, v18;
	v17 =	vshll.u32 v19, v1  }
0x3b: {  	v18 =	vld [tilespmem:s22+$0xFFFFFF80];
	v17 =	vbroadcast v17, $0x0;
	_ =	sdelay $0x1  }
0x3c: {  	v19 =	vadd.s32 v7, v17;
	_ =	sdelay $0x2  }
0x3d: {  	v18 =	vmul.f32 $5.656854150e+00, v18;
	_ =	sdelay $0x1  }
0x3e: {  	[tilespmem:v19+s15+$0x0] =	vst.idx.msk $0xffff, v18  }
0x3f: {  	v18 =	vld [tilespmem:s22+$0xFFFFFF90];
	_ =	sdelay $0x1  }
0x40: {  	v17 =	vadd.s32 v8, v17;
	_ =	sdelay $0x1  }
0x41: {  	s28 =	simm.s32 $0x4  }
0x42: {  	v19 =	vmov s28;
	v18 =	vmul.f32 $5.656854150e+00, v18  }
0x43: {  	v19 =	vshrl.u32 v19, $0x3  }
0x44: {  	[tilespmem:v17+s15+$0x0] =	vst.idx.msk $0xffff, v18;
	v17 =	vshll.u32 v19, v1  }
0x45: {  	v18 =	vld [tilespmem:s22+$0x0];
	v17 =	vbroadcast v17, $0x0;
	_ =	sdelay $0x1  }
0x46: {  	v19 =	vadd.s32 v9, v17;
	_ =	sdelay $0x2  }
0x47: {  	v18 =	vmul.f32 $5.656854150e+00, v18;
	_ =	sdelay $0x1  }
0x48: {  	[tilespmem:v19+s15+$0x0] =	vst.idx.msk $0xffff, v18  }
0x49: {  	v18 =	vld [tilespmem:s22+$0x10];
	_ =	sdelay $0x1  }
0x4a: {  	v17 =	vadd.s32 v10, v17;
	_ =	sdelay $0x1  }
0x4b: {  	s29 =	simm.s32 $0x5  }
0x4c: {  	v19 =	vmov s29;
	v18 =	vmul.f32 $5.656854150e+00, v18  }
0x4d: {  	v19 =	vshrl.u32 v19, $0x3  }
0x4e: {  	[tilespmem:v17+s15+$0x0] =	vst.idx.msk $0xffff, v18;
	v17 =	vshll.u32 v19, v1  }
0x4f: {  	v18 =	vld [tilespmem:s22+$0x80];
	v17 =	vbroadcast v17, $0x0;
	_ =	sdelay $0x1  }
0x50: {  	v19 =	vadd.s32 v11, v17;
	_ =	sdelay $0x2  }
0x51: {  	v18 =	vmul.f32 $5.656854150e+00, v18;
	_ =	sdelay $0x1  }
0x52: {  	[tilespmem:v19+s15+$0x0] =	vst.idx.msk $0xffff, v18  }
0x53: {  	v18 =	vld [tilespmem:s22+$0x90];
	_ =	sdelay $0x1  }
0x54: {  	v17 =	vadd.s32 v12, v17;
	_ =	sdelay $0x1  }
0x55: {  	s30 =	simm.s32 $0x6  }
0x56: {  	v19 =	vmov s30;
	v18 =	vmul.f32 $5.656854150e+00, v18  }
0x57: {  	v19 =	vshrl.u32 v19, $0x3  }
0x58: {  	[tilespmem:v17+s15+$0x0] =	vst.idx.msk $0xffff, v18;
	v17 =	vshll.u32 v19, v1  }
0x59: {  	v18 =	vld [tilespmem:s22+$0x100];
	v17 =	vbroadcast v17, $0x0;
	_ =	sdelay $0x1  }
0x5a: {  	v19 =	vadd.s32 v13, v17;
	_ =	sdelay $0x2  }
0x5b: {  	v18 =	vmul.f32 $5.656854150e+00, v18;
	_ =	sdelay $0x1  }
0x5c: {  	[tilespmem:v19+s15+$0x0] =	vst.idx.msk $0xffff, v18  }
0x5d: {  	v18 =	vld [tilespmem:s22+$0x110];
	_ =	sdelay $0x1  }
0x5e: {  	v17 =	vadd.s32 v14, v17;
	_ =	sdelay $0x1  }
0x5f: {  	s31 =	simm.s32 $0x7  }
0x60: {  	v19 =	vmov s31;
	v18 =	vmul.f32 $5.656854150e+00, v18  }
0x61: {  	v19 =	vshrl.u32 v19, $0x3  }
0x62: {  	[tilespmem:v17+s15+$0x0] =	vst.idx.msk $0xffff, v18;
	v17 =	vshll.u32 v19, v1  }
0x63: {  	v18 =	vld [tilespmem:s22+$0x180];
	v17 =	vbroadcast v17, $0x0;
	_ =	sdelay $0x1  }
0x64: {  	v19 =	vadd.s32 v15, v17;
	_ =	sdelay $0x2  }
0x65: {  	v18 =	vmul.f32 $5.656854150e+00, v18;
	_ =	sdelay $0x1  }
0x66: {  	[tilespmem:v19+s15+$0x0] =	vst.idx.msk $0xffff, v18  }
0x67: {  	v18 =	vld [tilespmem:s22+$0x190];
	_ =	sdelay $0x1  }
0x68: {  	v17 =	vadd.s32 v16, v17  }
0x69: {  	s24 =	simm.s32 $0x8  }
0x6a: {  	v19 =	vmov s24  }
0x6b: {  	s25 =	simm.s32 $0x10;
	v19 =	vshrl.u32 v19, $0x3;
	v18 =	vmul.f32 $5.656854150e+00, v18  }
.LBB2_3:
0x6c: {  	p1 =	slt.u32 s25, $0xF8  }
0x6d: {  	v19 =	vshll.u32 v19, v1;
	[tilespmem:v17+s15+$0x0] =	vst.idx.msk $0xffff, v18;
	s22 =	sadd.s32 $0x400, s22;
	s26 =	smov.u32 s25;
	s25 =	sadd.s32 $0x8, s25  }
0x6e: {  	v17 =	vld [tilespmem:s22+$0xFFFFFE00];
	v18 =	vbroadcast v19, $0x0;
	_ =	sdelay $0x1  }
0x6f: {  	v19 =	vadd.s32 v0, v18;
	_ =	sdelay $0x2  }
0x70: {  	v17 =	vmul.f32 $5.656854150e+00, v17;
	_ =	sdelay $0x1  }
0x71: {  	[tilespmem:v19+s15+$0x0] =	vst.idx.msk $0xffff, v17  }
0x72: {  	v17 =	vld [tilespmem:s22+$0xFFFFFE10];
	_ =	sdelay $0x1  }
0x73: {  	v18 =	vadd.s32 v2, v18;
	_ =	sdelay $0x1  }
0x74: {  	s28 =	sadd.s32 $0x1, s24  }
0x75: {  	v19 =	vmov s28;
	v17 =	vmul.f32 $5.656854150e+00, v17  }
0x76: {  	v19 =	vshrl.u32 v19, $0x3  }
0x77: {  	[tilespmem:v18+s15+$0x0] =	vst.idx.msk $0xffff, v17;
	v17 =	vshll.u32 v19, v1  }
0x78: {  	v18 =	vld [tilespmem:s22+$0xFFFFFE80];
	v17 =	vbroadcast v17, $0x0;
	_ =	sdelay $0x1  }
0x79: {  	v19 =	vadd.s32 v3, v17;
	_ =	sdelay $0x2  }
0x7a: {  	v18 =	vmul.f32 $5.656854150e+00, v18;
	_ =	sdelay $0x1  }
0x7b: {  	[tilespmem:v19+s15+$0x0] =	vst.idx.msk $0xffff, v18  }
0x7c: {  	v18 =	vld [tilespmem:s22+$0xFFFFFE90];
	_ =	sdelay $0x1  }
0x7d: {  	v17 =	vadd.s32 v4, v17;
	_ =	sdelay $0x1  }
0x7e: {  	s28 =	sadd.s32 $0x2, s24  }
0x7f: {  	v19 =	vmov s28;
	v18 =	vmul.f32 $5.656854150e+00, v18  }
0x80: {  	v19 =	vshrl.u32 v19, $0x3  }
0x81: {  	[tilespmem:v17+s15+$0x0] =	vst.idx.msk $0xffff, v18;
	v17 =	vshll.u32 v19, v1  }
0x82: {  	v18 =	vld [tilespmem:s22+$0xFFFFFF00];
	v17 =	vbroadcast v17, $0x0;
	_ =	sdelay $0x1  }
0x83: {  	v19 =	vadd.s32 v5, v17;
	_ =	sdelay $0x2  }
0x84: {  	v18 =	vmul.f32 $5.656854150e+00, v18;
	_ =	sdelay $0x1  }
0x85: {  	[tilespmem:v19+s15+$0x0] =	vst.idx.msk $0xffff, v18  }
0x86: {  	v18 =	vld [tilespmem:s22+$0xFFFFFF10];
	_ =	sdelay $0x1  }
0x87: {  	v17 =	vadd.s32 v6, v17;
	_ =	sdelay $0x1  }
0x88: {  	s28 =	sadd.s32 $0x3, s24  }
0x89: {  	v19 =	vmov s28;
	v18 =	vmul.f32 $5.656854150e+00, v18  }
0x8a: {  	v19 =	vshrl.u32 v19, $0x3  }
0x8b: {  	[tilespmem:v17+s15+$0x0] =	vst.idx.msk $0xffff, v18;
	v17 =	vshll.u32 v19, v1  }
0x8c: {  	v18 =	vld [tilespmem:s22+$0xFFFFFF80];
	v17 =	vbroadcast v17, $0x0;
	_ =	sdelay $0x1  }
0x8d: {  	v19 =	vadd.s32 v7, v17;
	_ =	sdelay $0x2  }
0x8e: {  	v18 =	vmul.f32 $5.656854150e+00, v18;
	_ =	sdelay $0x1  }
0x8f: {  	[tilespmem:v19+s15+$0x0] =	vst.idx.msk $0xffff, v18  }
0x90: {  	v18 =	vld [tilespmem:s22+$0xFFFFFF90];
	_ =	sdelay $0x1  }
0x91: {  	v17 =	vadd.s32 v8, v17;
	_ =	sdelay $0x1  }
0x92: {  	s28 =	sadd.s32 $0x4, s24  }
0x93: {  	v19 =	vmov s28;
	v18 =	vmul.f32 $5.656854150e+00, v18  }
0x94: {  	v19 =	vshrl.u32 v19, $0x3  }
0x95: {  	[tilespmem:v17+s15+$0x0] =	vst.idx.msk $0xffff, v18;
	v17 =	vshll.u32 v19, v1  }
0x96: {  	v18 =	vld [tilespmem:s22+$0x0];
	v17 =	vbroadcast v17, $0x0;
	_ =	sdelay $0x1  }
0x97: {  	v19 =	vadd.s32 v9, v17;
	_ =	sdelay $0x2  }
0x98: {  	v18 =	vmul.f32 $5.656854150e+00, v18;
	_ =	sdelay $0x1  }
0x99: {  	[tilespmem:v19+s15+$0x0] =	vst.idx.msk $0xffff, v18  }
0x9a: {  	v18 =	vld [tilespmem:s22+$0x10];
	_ =	sdelay $0x1  }
0x9b: {  	v17 =	vadd.s32 v10, v17;
	_ =	sdelay $0x1  }
0x9c: {  	s28 =	sadd.s32 $0x5, s24  }
0x9d: {  	v19 =	vmov s28;
	v18 =	vmul.f32 $5.656854150e+00, v18  }
0x9e: {  	v19 =	vshrl.u32 v19, $0x3  }
0x9f: {  	[tilespmem:v17+s15+$0x0] =	vst.idx.msk $0xffff, v18;
	v17 =	vshll.u32 v19, v1  }
0xa0: {  	v18 =	vld [tilespmem:s22+$0x80];
	v17 =	vbroadcast v17, $0x0;
	_ =	sdelay $0x1  }
0xa1: {  	v19 =	vadd.s32 v11, v17;
	_ =	sdelay $0x2  }
0xa2: {  	v18 =	vmul.f32 $5.656854150e+00, v18;
	_ =	sdelay $0x1  }
0xa3: {  	[tilespmem:v19+s15+$0x0] =	vst.idx.msk $0xffff, v18  }
0xa4: {  	v18 =	vld [tilespmem:s22+$0x90];
	_ =	sdelay $0x1  }
0xa5: {  	v17 =	vadd.s32 v12, v17;
	_ =	sdelay $0x1  }
0xa6: {  	s28 =	sadd.s32 $0x6, s24  }
0xa7: {  	v19 =	vmov s28;
	v18 =	vmul.f32 $5.656854150e+00, v18  }
0xa8: {  	v19 =	vshrl.u32 v19, $0x3  }
0xa9: {  	[tilespmem:v17+s15+$0x0] =	vst.idx.msk $0xffff, v18;
	v17 =	vshll.u32 v19, v1  }
0xaa: {  	v18 =	vld [tilespmem:s22+$0x100];
	v17 =	vbroadcast v17, $0x0;
	_ =	sdelay $0x1  }
0xab: {  	v19 =	vadd.s32 v13, v17;
	_ =	sdelay $0x2  }
0xac: {  	v18 =	vmul.f32 $5.656854150e+00, v18;
	_ =	sdelay $0x1  }
0xad: {  	[tilespmem:v19+s15+$0x0] =	vst.idx.msk $0xffff, v18  }
0xae: {  	v18 =	vld [tilespmem:s22+$0x110];
	_ =	sdelay $0x1  }
0xaf: {  	v17 =	vadd.s32 v14, v17;
	_ =	sdelay $0x1  }
0xb0: {  	s28 =	sadd.s32 $0x7, s24;
	s24 =	smov.u32 s26  }
0xb1: {  	v19 =	vmov s28;
	v18 =	vmul.f32 $5.656854150e+00, v18  }
0xb2: {  	v19 =	vshrl.u32 v19, $0x3  }
0xb3: {  	[tilespmem:v17+s15+$0x0] =	vst.idx.msk $0xffff, v18;
	v17 =	vshll.u32 v19, v1  }
0xb4: {  	v18 =	vld [tilespmem:s22+$0x180];
	v17 =	vbroadcast v17, $0x0;
	_ =	sdelay $0x1  }
0xb5: {  	v19 =	vadd.s32 v15, v17;
	_ =	sdelay $0x2  }
0xb6: {  	v18 =	vmul.f32 $5.656854150e+00, v18;
	_ =	sdelay $0x1  }
0xb7: {  	[tilespmem:v19+s15+$0x0] =	vst.idx.msk $0xffff, v18  }
0xb8: {  	v18 =	vld [tilespmem:s22+$0x190];
	_ =	sdelay $0x1  }
.Ltmp0:
0xb9: {  	v17 =	vadd.s32 v16, v17;
	(pc) =	sbr.rel @p1 .LBB2_3-.Ltmp0, $3  }
0xba: {  	_ =	sdelay $0x1  }
0xbb: {  	v19 =	vmov s24;
	v18 =	vmul.f32 $5.656854150e+00, v18  }
0xbc: {  	v19 =	vshrl.u32 v19, $0x3  }
0xbd: {  	_ =	sdelay $0x3  }
0xbe: {  	v19 =	vshll.u32 v19, v1;
	[tilespmem:v17+s15+$0x0] =	vst.idx.msk $0xffff, v18;
	s22 =	sadd.s32 $0x400, s22  }
0xbf: {  	v17 =	vld [tilespmem:s22+$0xFFFFFE00];
	v18 =	vbroadcast v19, $0x0;
	_ =	sdelay $0x1  }
0xc0: {  	v19 =	vadd.s32 v0, v18;
	_ =	sdelay $0x2  }
0xc1: {  	v17 =	vmul.f32 $5.656854150e+00, v17;
	_ =	sdelay $0x1  }
0xc2: {  	[tilespmem:v19+s15+$0x0] =	vst.idx.msk $0xffff, v17  }
0xc3: {  	v17 =	vld [tilespmem:s22+$0xFFFFFE10];
	_ =	sdelay $0x1  }
0xc4: {  	v18 =	vadd.s32 v2, v18;
	_ =	sdelay $0x1  }
0xc5: {  	s25 =	sadd.s32 $0x1, s24  }
0xc6: {  	v19 =	vmov s25;
	v17 =	vmul.f32 $5.656854150e+00, v17  }
0xc7: {  	v19 =	vshrl.u32 v19, $0x3  }
0xc8: {  	[tilespmem:v18+s15+$0x0] =	vst.idx.msk $0xffff, v17;
	v17 =	vshll.u32 v19, v1  }
0xc9: {  	v18 =	vld [tilespmem:s22+$0xFFFFFE80];
	v17 =	vbroadcast v17, $0x0;
	_ =	sdelay $0x1  }
0xca: {  	v19 =	vadd.s32 v3, v17;
	_ =	sdelay $0x2  }
0xcb: {  	v18 =	vmul.f32 $5.656854150e+00, v18;
	_ =	sdelay $0x1  }
0xcc: {  	[tilespmem:v19+s15+$0x0] =	vst.idx.msk $0xffff, v18  }
0xcd: {  	v18 =	vld [tilespmem:s22+$0xFFFFFE90];
	_ =	sdelay $0x1  }
0xce: {  	v17 =	vadd.s32 v4, v17;
	_ =	sdelay $0x1  }
0xcf: {  	s29 =	sadd.s32 $0x2, s24  }
0xd0: {  	v19 =	vmov s29;
	v18 =	vmul.f32 $5.656854150e+00, v18  }
0xd1: {  	v19 =	vshrl.u32 v19, $0x3  }
0xd2: {  	[tilespmem:v17+s15+$0x0] =	vst.idx.msk $0xffff, v18;
	v17 =	vshll.u32 v19, v1  }
0xd3: {  	v18 =	vld [tilespmem:s22+$0xFFFFFF00];
	v17 =	vbroadcast v17, $0x0;
	_ =	sdelay $0x1  }
0xd4: {  	v19 =	vadd.s32 v5, v17;
	_ =	sdelay $0x2  }
0xd5: {  	v18 =	vmul.f32 $5.656854150e+00, v18;
	_ =	sdelay $0x1  }
0xd6: {  	[tilespmem:v19+s15+$0x0] =	vst.idx.msk $0xffff, v18  }
0xd7: {  	v18 =	vld [tilespmem:s22+$0xFFFFFF10];
	_ =	sdelay $0x1  }
0xd8: {  	v17 =	vadd.s32 v6, v17;
	_ =	sdelay $0x1  }
0xd9: {  	s30 =	sadd.s32 $0x3, s24  }
0xda: {  	v19 =	vmov s30;
	v18 =	vmul.f32 $5.656854150e+00, v18  }
0xdb: {  	v19 =	vshrl.u32 v19, $0x3  }
0xdc: {  	[tilespmem:v17+s15+$0x0] =	vst.idx.msk $0xffff, v18;
	v17 =	vshll.u32 v19, v1  }
0xdd: {  	v18 =	vld [tilespmem:s22+$0xFFFFFF80];
	v17 =	vbroadcast v17, $0x0;
	_ =	sdelay $0x1  }
0xde: {  	v19 =	vadd.s32 v7, v17;
	_ =	sdelay $0x2  }
0xdf: {  	v18 =	vmul.f32 $5.656854150e+00, v18;
	_ =	sdelay $0x1  }
0xe0: {  	[tilespmem:v19+s15+$0x0] =	vst.idx.msk $0xffff, v18  }
0xe1: {  	v18 =	vld [tilespmem:s22+$0xFFFFFF90];
	_ =	sdelay $0x1  }
0xe2: {  	v17 =	vadd.s32 v8, v17;
	_ =	sdelay $0x1  }
0xe3: {  	s31 =	sadd.s32 $0x4, s24  }
0xe4: {  	v19 =	vmov s31;
	v18 =	vmul.f32 $5.656854150e+00, v18  }
0xe5: {  	v19 =	vshrl.u32 v19, $0x3  }
0xe6: {  	[tilespmem:v17+s15+$0x0] =	vst.idx.msk $0xffff, v18;
	v17 =	vshll.u32 v19, v1  }
0xe7: {  	v18 =	vld [tilespmem:s22+$0x0];
	v17 =	vbroadcast v17, $0x0;
	_ =	sdelay $0x1  }
0xe8: {  	v19 =	vadd.s32 v9, v17;
	_ =	sdelay $0x2  }
0xe9: {  	v18 =	vmul.f32 $5.656854150e+00, v18;
	_ =	sdelay $0x1  }
0xea: {  	[tilespmem:v19+s15+$0x0] =	vst.idx.msk $0xffff, v18  }
0xeb: {  	v18 =	vld [tilespmem:s22+$0x10];
	_ =	sdelay $0x1  }
0xec: {  	v17 =	vadd.s32 v10, v17;
	_ =	sdelay $0x1  }
0xed: {  	s26 =	sadd.s32 $0x5, s24  }
0xee: {  	v19 =	vmov s26;
	v18 =	vmul.f32 $5.656854150e+00, v18  }
0xef: {  	v19 =	vshrl.u32 v19, $0x3  }
0xf0: {  	[tilespmem:v17+s15+$0x0] =	vst.idx.msk $0xffff, v18;
	v17 =	vshll.u32 v19, v1  }
0xf1: {  	v18 =	vld [tilespmem:s22+$0x80];
	v17 =	vbroadcast v17, $0x0;
	_ =	sdelay $0x1  }
0xf2: {  	v19 =	vadd.s32 v11, v17;
	_ =	sdelay $0x2  }
0xf3: {  	v18 =	vmul.f32 $5.656854150e+00, v18;
	_ =	sdelay $0x1  }
0xf4: {  	[tilespmem:v19+s15+$0x0] =	vst.idx.msk $0xffff, v18  }
0xf5: {  	v18 =	vld [tilespmem:s22+$0x90];
	_ =	sdelay $0x1  }
0xf6: {  	v17 =	vadd.s32 v12, v17;
	_ =	sdelay $0x1  }
0xf7: {  	s28 =	sadd.s32 $0x6, s24  }
0xf8: {  	v19 =	vmov s28;
	v18 =	vmul.f32 $5.656854150e+00, v18  }
0xf9: {  	v19 =	vshrl.u32 v19, $0x3  }
0xfa: {  	[tilespmem:v17+s15+$0x0] =	vst.idx.msk $0xffff, v18;
	v17 =	vshll.u32 v19, v1  }
0xfb: {  	v18 =	vld [tilespmem:s22+$0x100];
	v17 =	vbroadcast v17, $0x0;
	_ =	sdelay $0x1  }
0xfc: {  	v19 =	vadd.s32 v13, v17;
	_ =	sdelay $0x2  }
0xfd: {  	v18 =	vmul.f32 $5.656854150e+00, v18;
	_ =	sdelay $0x1  }
0xfe: {  	[tilespmem:v19+s15+$0x0] =	vst.idx.msk $0xffff, v18  }
0xff: {  	v18 =	vld [tilespmem:s22+$0x110];
	_ =	sdelay $0x1  }
0x100: {  	v17 =	vadd.s32 v14, v17;
	_ =	sdelay $0x1  }
0x101: {  	s29 =	sadd.s32 $0x7, s24  }
0x102: {  	v19 =	vmov s29;
	v18 =	vmul.f32 $5.656854150e+00, v18  }
0x103: {  	v19 =	vshrl.u32 v19, $0x3  }
0x104: {  	[tilespmem:v17+s15+$0x0] =	vst.idx.msk $0xffff, v18;
	v17 =	vshll.u32 v19, v1  }
0x105: {  	v18 =	vld [tilespmem:s22+$0x180];
	v17 =	vbroadcast v17, $0x0;
	_ =	sdelay $0x1  }
0x106: {  	v19 =	vadd.s32 v15, v17;
	_ =	sdelay $0x2  }
0x107: {  	v18 =	vmul.f32 $5.656854150e+00, v18;
	_ =	sdelay $0x1  }
0x108: {  	[tilespmem:v19+s15+$0x0] =	vst.idx.msk $0xffff, v18  }
0x109: {  	v18 =	vld [tilespmem:s22+$0x190];
	_ =	sdelay $0x1  }
0x10a: {  	v17 =	vadd.s32 v16, v17;
	_ =	sdelay $0x1  }
0x10b: {  	s30 =	sshll.u32 s21, $0x13  }
0x10c: {  	s22 =	sor.u32 s4, s30;
	v18 =	vmul.f32 $5.656854150e+00, v18  }
0x10d: {  	s22 =	sshrl.u32 s22, $0x3  }
0x10e: {  	s25 =	simm.s32 $0x420;
	s31 =	simm.s32 $0x16400;
	s24 =	sadd.s32 s5, s22;
	[tilespmem:v17+s15+$0x0] =	vst.idx.msk $0xffff, v18  }
0x10f: {  	[hbm4b:s24+s2] =	stream.linear.scatter [tilespmem:s31], [sflag:$0x3], $0x100, $0x38;
	[tilespmem:$0x1A600] =	vst v63  }
.LBB2_5:
0x110: {  	p1 =	sne.s32 s25, $0x7FE0  }
.Ltmp1:
0x111: {  	_ = 	snop;
	(pc) =	sbr.rel @p1 .LBB2_5-.Ltmp1, $4  }
0x112: {  	_ = 	snop  }
0x113: {  	s26 =	sshra.s32 s25, $0x2;
	s25 =	sadd.s32 $0x420, s25  }
0x114: {  	s24 =	sadd.s32 $0x800, s24;
	s26 =	sadd.s32 $0x16400, s26  }
0x115: {  	[hbm4b:s24+s2] =	stream.linear.scatter [tilespmem:s26], [sflag:$0x3], $0x100, $0x38;
	[tilespmem:$0x1A600] =	vst v63  }
0x116: {  	p1 =	sne.s32 s21, $0x31  }
.Ltmp2:
0x117: {  	_ = 	snop;
	(pc) =	sbr.rel @p1 .LBB2_8-.Ltmp2, $1  }
0x118: {  	_ =	sdelay $0x3  }
.Ltmp3:
0x119: {  	(pc) =	sbr.rel .LBB2_9-.Ltmp3, $4  }
0x11a: {  	_ = 	snop  }
0x11b: {  	_ =	swait.ge [sflag:s16], $0x8000  }
0x11c: {  	[sflag:s16] =	ssyncset.done $0x0  }
0x11d: {  	[sflag:s16] =	ssyncadd.s32 $0xFFFF8000  }
.LBB2_8:
.Ltmp4:
0x11e: {  	s23 =	sadd.s32 $0x200, s23;
	(pc) =	sbr.rel @p0 .LBB2_10-.Ltmp4, $4  }
0x11f: {  	[tilespmem:s12], [sflag:$0x1] =	stream.indirect.gather [hbm4b:s3+s11], $0x80, s23, s11, $0xb8;
	[tilespmem:$0x1A600] =	vst v63  }
0x120: {  	_ =	swait.ge [sflag:s16], $0x8000  }
0x121: {  	[sflag:s16] =	ssyncset.done $0x0  }
0x122: {  	[sflag:s16] =	ssyncadd.s32 $0xFFFF8000  }
.LBB2_9:
0x123: {  	_ =	swait.ge [sflag:s17], $0x2000  }
0x124: {  	[sflag:s17] =	ssyncset.done $0x0  }
0x125: {  	[sflag:s17] =	ssyncadd.s32 $0xFFFFE000  }
.LBB2_10:
0x126: {  	s23 =	simm.s32 $0x0  }
0x127: {  	v17 =	vmov s23  }
0x128: {  	v17 =	vshrl.u32 v17, $0x3  }
0x129: {  	s23 =	simm.s32 $0xE600;
	v17 =	vshll.u32 v17, v1  }
0x12a: {  	v18 =	vld [tilespmem:s23+$0xFFFFFE00];
	v17 =	vbroadcast v17, $0x0;
	_ =	sdelay $0x1  }
0x12b: {  	v19 =	vadd.s32 v0, v17;
	_ =	sdelay $0x2  }
0x12c: {  	v18 =	vmul.f32 $5.656854150e+00, v18;
	_ =	sdelay $0x1  }
0x12d: {  	[tilespmem:v19+s18+$0x0] =	vst.idx.msk $0xffff, v18  }
0x12e: {  	v18 =	vld [tilespmem:s23+$0xFFFFFE10];
	_ =	sdelay $0x1  }
0x12f: {  	v17 =	vadd.s32 v2, v17;
	_ =	sdelay $0x1  }
0x130: {  	s24 =	simm.s32 $0x1  }
0x131: {  	v19 =	vmov s24;
	v18 =	vmul.f32 $5.656854150e+00, v18  }
0x132: {  	v19 =	vshrl.u32 v19, $0x3  }
0x133: {  	[tilespmem:v17+s18+$0x0] =	vst.idx.msk $0xffff, v18;
	v17 =	vshll.u32 v19, v1  }
0x134: {  	v18 =	vld [tilespmem:s23+$0xFFFFFE80];
	v17 =	vbroadcast v17, $0x0;
	_ =	sdelay $0x1  }
0x135: {  	v19 =	vadd.s32 v3, v17;
	_ =	sdelay $0x2  }
0x136: {  	v18 =	vmul.f32 $5.656854150e+00, v18;
	_ =	sdelay $0x1  }
0x137: {  	[tilespmem:v19+s18+$0x0] =	vst.idx.msk $0xffff, v18  }
0x138: {  	v18 =	vld [tilespmem:s23+$0xFFFFFE90];
	_ =	sdelay $0x1  }
0x139: {  	v17 =	vadd.s32 v4, v17;
	_ =	sdelay $0x1  }
0x13a: {  	s25 =	simm.s32 $0x2  }
0x13b: {  	v19 =	vmov s25;
	v18 =	vmul.f32 $5.656854150e+00, v18  }
0x13c: {  	v19 =	vshrl.u32 v19, $0x3  }
0x13d: {  	[tilespmem:v17+s18+$0x0] =	vst.idx.msk $0xffff, v18;
	v17 =	vshll.u32 v19, v1  }
0x13e: {  	v18 =	vld [tilespmem:s23+$0xFFFFFF00];
	v17 =	vbroadcast v17, $0x0;
	_ =	sdelay $0x1  }
0x13f: {  	v19 =	vadd.s32 v5, v17;
	_ =	sdelay $0x2  }
0x140: {  	v18 =	vmul.f32 $5.656854150e+00, v18;
	_ =	sdelay $0x1  }
0x141: {  	[tilespmem:v19+s18+$0x0] =	vst.idx.msk $0xffff, v18  }
0x142: {  	v18 =	vld [tilespmem:s23+$0xFFFFFF10];
	_ =	sdelay $0x1  }
0x143: {  	v17 =	vadd.s32 v6, v17;
	_ =	sdelay $0x1  }
0x144: {  	s26 =	simm.s32 $0x3  }
0x145: {  	v19 =	vmov s26;
	v18 =	vmul.f32 $5.656854150e+00, v18  }
0x146: {  	v19 =	vshrl.u32 v19, $0x3  }
0x147: {  	[tilespmem:v17+s18+$0x0] =	vst.idx.msk $0xffff, v18;
	v17 =	vshll.u32 v19, v1  }
0x148: {  	v18 =	vld [tilespmem:s23+$0xFFFFFF80];
	v17 =	vbroadcast v17, $0x0;
	_ =	sdelay $0x1  }
0x149: {  	v19 =	vadd.s32 v7, v17;
	_ =	sdelay $0x2  }
0x14a: {  	v18 =	vmul.f32 $5.656854150e+00, v18;
	_ =	sdelay $0x1  }
0x14b: {  	[tilespmem:v19+s18+$0x0] =	vst.idx.msk $0xffff, v18  }
0x14c: {  	v18 =	vld [tilespmem:s23+$0xFFFFFF90];
	_ =	sdelay $0x1  }
0x14d: {  	v17 =	vadd.s32 v8, v17;
	_ =	sdelay $0x1  }
0x14e: {  	s28 =	simm.s32 $0x4  }
0x14f: {  	v19 =	vmov s28;
	v18 =	vmul.f32 $5.656854150e+00, v18  }
0x150: {  	v19 =	vshrl.u32 v19, $0x3  }
0x151: {  	[tilespmem:v17+s18+$0x0] =	vst.idx.msk $0xffff, v18;
	v17 =	vshll.u32 v19, v1  }
0x152: {  	v18 =	vld [tilespmem:s23+$0x0];
	v17 =	vbroadcast v17, $0x0;
	_ =	sdelay $0x1  }
0x153: {  	v19 =	vadd.s32 v9, v17;
	_ =	sdelay $0x2  }
0x154: {  	v18 =	vmul.f32 $5.656854150e+00, v18;
	_ =	sdelay $0x1  }
0x155: {  	[tilespmem:v19+s18+$0x0] =	vst.idx.msk $0xffff, v18  }
0x156: {  	v18 =	vld [tilespmem:s23+$0x10];
	_ =	sdelay $0x1  }
0x157: {  	v17 =	vadd.s32 v10, v17;
	_ =	sdelay $0x1  }
0x158: {  	s29 =	simm.s32 $0x5  }
0x159: {  	v19 =	vmov s29;
	v18 =	vmul.f32 $5.656854150e+00, v18  }
0x15a: {  	v19 =	vshrl.u32 v19, $0x3  }
0x15b: {  	[tilespmem:v17+s18+$0x0] =	vst.idx.msk $0xffff, v18;
	v17 =	vshll.u32 v19, v1  }
0x15c: {  	v18 =	vld [tilespmem:s23+$0x80];
	v17 =	vbroadcast v17, $0x0;
	_ =	sdelay $0x1  }
0x15d: {  	v19 =	vadd.s32 v11, v17;
	_ =	sdelay $0x2  }
0x15e: {  	v18 =	vmul.f32 $5.656854150e+00, v18;
	_ =	sdelay $0x1  }
0x15f: {  	[tilespmem:v19+s18+$0x0] =	vst.idx.msk $0xffff, v18  }
0x160: {  	v18 =	vld [tilespmem:s23+$0x90];
	_ =	sdelay $0x1  }
0x161: {  	v17 =	vadd.s32 v12, v17;
	_ =	sdelay $0x1  }
0x162: {  	s30 =	simm.s32 $0x6  }
0x163: {  	v19 =	vmov s30;
	v18 =	vmul.f32 $5.656854150e+00, v18  }
0x164: {  	v19 =	vshrl.u32 v19, $0x3  }
0x165: {  	[tilespmem:v17+s18+$0x0] =	vst.idx.msk $0xffff, v18;
	v17 =	vshll.u32 v19, v1  }
0x166: {  	v18 =	vld [tilespmem:s23+$0x100];
	v17 =	vbroadcast v17, $0x0;
	_ =	sdelay $0x1  }
0x167: {  	v19 =	vadd.s32 v13, v17;
	_ =	sdelay $0x2  }
0x168: {  	v18 =	vmul.f32 $5.656854150e+00, v18;
	_ =	sdelay $0x1  }
0x169: {  	[tilespmem:v19+s18+$0x0] =	vst.idx.msk $0xffff, v18  }
0x16a: {  	v18 =	vld [tilespmem:s23+$0x110];
	_ =	sdelay $0x1  }
0x16b: {  	v17 =	vadd.s32 v14, v17;
	_ =	sdelay $0x1  }
0x16c: {  	s31 =	simm.s32 $0x7  }
0x16d: {  	v19 =	vmov s31;
	v18 =	vmul.f32 $5.656854150e+00, v18  }
0x16e: {  	v19 =	vshrl.u32 v19, $0x3  }
0x16f: {  	[tilespmem:v17+s18+$0x0] =	vst.idx.msk $0xffff, v18;
	v17 =	vshll.u32 v19, v1  }
0x170: {  	v18 =	vld [tilespmem:s23+$0x180];
	v17 =	vbroadcast v17, $0x0;
	_ =	sdelay $0x1  }
0x171: {  	v19 =	vadd.s32 v15, v17;
	_ =	sdelay $0x2  }
0x172: {  	v18 =	vmul.f32 $5.656854150e+00, v18;
	_ =	sdelay $0x1  }
0x173: {  	[tilespmem:v19+s18+$0x0] =	vst.idx.msk $0xffff, v18  }
0x174: {  	v18 =	vld [tilespmem:s23+$0x190];
	_ =	sdelay $0x1  }
0x175: {  	v17 =	vadd.s32 v16, v17  }
0x176: {  	s24 =	simm.s32 $0x8  }
0x177: {  	v19 =	vmov s24  }
0x178: {  	s25 =	simm.s32 $0x10;
	v19 =	vshrl.u32 v19, $0x3;
	v18 =	vmul.f32 $5.656854150e+00, v18  }
.LBB2_11:
0x179: {  	p0 =	slt.u32 s25, $0xF8  }
0x17a: {  	v19 =	vshll.u32 v19, v1;
	[tilespmem:v17+s18+$0x0] =	vst.idx.msk $0xffff, v18;
	s23 =	sadd.s32 $0x400, s23;
	s26 =	smov.u32 s25;
	s25 =	sadd.s32 $0x8, s25  }
0x17b: {  	v17 =	vld [tilespmem:s23+$0xFFFFFE00];
	v18 =	vbroadcast v19, $0x0;
	_ =	sdelay $0x1  }
0x17c: {  	v19 =	vadd.s32 v0, v18;
	_ =	sdelay $0x2  }
0x17d: {  	v17 =	vmul.f32 $5.656854150e+00, v17;
	_ =	sdelay $0x1  }
0x17e: {  	[tilespmem:v19+s18+$0x0] =	vst.idx.msk $0xffff, v17  }
0x17f: {  	v17 =	vld [tilespmem:s23+$0xFFFFFE10];
	_ =	sdelay $0x1  }
0x180: {  	v18 =	vadd.s32 v2, v18;
	_ =	sdelay $0x1  }
0x181: {  	s28 =	sadd.s32 $0x1, s24  }
0x182: {  	v19 =	vmov s28;
	v17 =	vmul.f32 $5.656854150e+00, v17  }
0x183: {  	v19 =	vshrl.u32 v19, $0x3  }
0x184: {  	[tilespmem:v18+s18+$0x0] =	vst.idx.msk $0xffff, v17;
	v17 =	vshll.u32 v19, v1  }
0x185: {  	v18 =	vld [tilespmem:s23+$0xFFFFFE80];
	v17 =	vbroadcast v17, $0x0;
	_ =	sdelay $0x1  }
0x186: {  	v19 =	vadd.s32 v3, v17;
	_ =	sdelay $0x2  }
0x187: {  	v18 =	vmul.f32 $5.656854150e+00, v18;
	_ =	sdelay $0x1  }
0x188: {  	[tilespmem:v19+s18+$0x0] =	vst.idx.msk $0xffff, v18  }
0x189: {  	v18 =	vld [tilespmem:s23+$0xFFFFFE90];
	_ =	sdelay $0x1  }
0x18a: {  	v17 =	vadd.s32 v4, v17;
	_ =	sdelay $0x1  }
0x18b: {  	s28 =	sadd.s32 $0x2, s24  }
0x18c: {  	v19 =	vmov s28;
	v18 =	vmul.f32 $5.656854150e+00, v18  }
0x18d: {  	v19 =	vshrl.u32 v19, $0x3  }
0x18e: {  	[tilespmem:v17+s18+$0x0] =	vst.idx.msk $0xffff, v18;
	v17 =	vshll.u32 v19, v1  }
0x18f: {  	v18 =	vld [tilespmem:s23+$0xFFFFFF00];
	v17 =	vbroadcast v17, $0x0;
	_ =	sdelay $0x1  }
0x190: {  	v19 =	vadd.s32 v5, v17;
	_ =	sdelay $0x2  }
0x191: {  	v18 =	vmul.f32 $5.656854150e+00, v18;
	_ =	sdelay $0x1  }
0x192: {  	[tilespmem:v19+s18+$0x0] =	vst.idx.msk $0xffff, v18  }
0x193: {  	v18 =	vld [tilespmem:s23+$0xFFFFFF10];
	_ =	sdelay $0x1  }
0x194: {  	v17 =	vadd.s32 v6, v17;
	_ =	sdelay $0x1  }
0x195: {  	s28 =	sadd.s32 $0x3, s24  }
0x196: {  	v19 =	vmov s28;
	v18 =	vmul.f32 $5.656854150e+00, v18  }
0x197: {  	v19 =	vshrl.u32 v19, $0x3  }
0x198: {  	[tilespmem:v17+s18+$0x0] =	vst.idx.msk $0xffff, v18;
	v17 =	vshll.u32 v19, v1  }
0x199: {  	v18 =	vld [tilespmem:s23+$0xFFFFFF80];
	v17 =	vbroadcast v17, $0x0;
	_ =	sdelay $0x1  }
0x19a: {  	v19 =	vadd.s32 v7, v17;
	_ =	sdelay $0x2  }
0x19b: {  	v18 =	vmul.f32 $5.656854150e+00, v18;
	_ =	sdelay $0x1  }
0x19c: {  	[tilespmem:v19+s18+$0x0] =	vst.idx.msk $0xffff, v18  }
0x19d: {  	v18 =	vld [tilespmem:s23+$0xFFFFFF90];
	_ =	sdelay $0x1  }
0x19e: {  	v17 =	vadd.s32 v8, v17;
	_ =	sdelay $0x1  }
0x19f: {  	s28 =	sadd.s32 $0x4, s24  }
0x1a0: {  	v19 =	vmov s28;
	v18 =	vmul.f32 $5.656854150e+00, v18  }
0x1a1: {  	v19 =	vshrl.u32 v19, $0x3  }
0x1a2: {  	[tilespmem:v17+s18+$0x0] =	vst.idx.msk $0xffff, v18;
	v17 =	vshll.u32 v19, v1  }
0x1a3: {  	v18 =	vld [tilespmem:s23+$0x0];
	v17 =	vbroadcast v17, $0x0;
	_ =	sdelay $0x1  }
0x1a4: {  	v19 =	vadd.s32 v9, v17;
	_ =	sdelay $0x2  }
0x1a5: {  	v18 =	vmul.f32 $5.656854150e+00, v18;
	_ =	sdelay $0x1  }
0x1a6: {  	[tilespmem:v19+s18+$0x0] =	vst.idx.msk $0xffff, v18  }
0x1a7: {  	v18 =	vld [tilespmem:s23+$0x10];
	_ =	sdelay $0x1  }
0x1a8: {  	v17 =	vadd.s32 v10, v17;
	_ =	sdelay $0x1  }
0x1a9: {  	s28 =	sadd.s32 $0x5, s24  }
0x1aa: {  	v19 =	vmov s28;
	v18 =	vmul.f32 $5.656854150e+00, v18  }
0x1ab: {  	v19 =	vshrl.u32 v19, $0x3  }
0x1ac: {  	[tilespmem:v17+s18+$0x0] =	vst.idx.msk $0xffff, v18;
	v17 =	vshll.u32 v19, v1  }
0x1ad: {  	v18 =	vld [tilespmem:s23+$0x80];
	v17 =	vbroadcast v17, $0x0;
	_ =	sdelay $0x1  }
0x1ae: {  	v19 =	vadd.s32 v11, v17;
	_ =	sdelay $0x2  }
0x1af: {  	v18 =	vmul.f32 $5.656854150e+00, v18;
	_ =	sdelay $0x1  }
0x1b0: {  	[tilespmem:v19+s18+$0x0] =	vst.idx.msk $0xffff, v18  }
0x1b1: {  	v18 =	vld [tilespmem:s23+$0x90];
	_ =	sdelay $0x1  }
0x1b2: {  	v17 =	vadd.s32 v12, v17;
	_ =	sdelay $0x1  }
0x1b3: {  	s28 =	sadd.s32 $0x6, s24  }
0x1b4: {  	v19 =	vmov s28;
	v18 =	vmul.f32 $5.656854150e+00, v18  }
0x1b5: {  	v19 =	vshrl.u32 v19, $0x3  }
0x1b6: {  	[tilespmem:v17+s18+$0x0] =	vst.idx.msk $0xffff, v18;
	v17 =	vshll.u32 v19, v1  }
0x1b7: {  	v18 =	vld [tilespmem:s23+$0x100];
	v17 =	vbroadcast v17, $0x0;
	_ =	sdelay $0x1  }
0x1b8: {  	v19 =	vadd.s32 v13, v17;
	_ =	sdelay $0x2  }
0x1b9: {  	v18 =	vmul.f32 $5.656854150e+00, v18;
	_ =	sdelay $0x1  }
0x1ba: {  	[tilespmem:v19+s18+$0x0] =	vst.idx.msk $0xffff, v18  }
0x1bb: {  	v18 =	vld [tilespmem:s23+$0x110];
	_ =	sdelay $0x1  }
0x1bc: {  	v17 =	vadd.s32 v14, v17;
	_ =	sdelay $0x1  }
0x1bd: {  	s28 =	sadd.s32 $0x7, s24;
	s24 =	smov.u32 s26  }
0x1be: {  	v19 =	vmov s28;
	v18 =	vmul.f32 $5.656854150e+00, v18  }
0x1bf: {  	v19 =	vshrl.u32 v19, $0x3  }
0x1c0: {  	[tilespmem:v17+s18+$0x0] =	vst.idx.msk $0xffff, v18;
	v17 =	vshll.u32 v19, v1  }
0x1c1: {  	v18 =	vld [tilespmem:s23+$0x180];
	v17 =	vbroadcast v17, $0x0;
	_ =	sdelay $0x1  }
0x1c2: {  	v19 =	vadd.s32 v15, v17;
	_ =	sdelay $0x2  }
0x1c3: {  	v18 =	vmul.f32 $5.656854150e+00, v18;
	_ =	sdelay $0x1  }
0x1c4: {  	[tilespmem:v19+s18+$0x0] =	vst.idx.msk $0xffff, v18  }
0x1c5: {  	v18 =	vld [tilespmem:s23+$0x190];
	_ =	sdelay $0x1  }
.Ltmp5:
0x1c6: {  	v17 =	vadd.s32 v16, v17;
	(pc) =	sbr.rel @p0 .LBB2_11-.Ltmp5, $3  }
0x1c7: {  	_ =	sdelay $0x1  }
0x1c8: {  	v19 =	vmov s24;
	v18 =	vmul.f32 $5.656854150e+00, v18  }
0x1c9: {  	v19 =	vshrl.u32 v19, $0x3  }
0x1ca: {  	_ =	sdelay $0x3  }
0x1cb: {  	v19 =	vshll.u32 v19, v1;
	[tilespmem:v17+s18+$0x0] =	vst.idx.msk $0xffff, v18;
	s23 =	sadd.s32 $0x400, s23  }
0x1cc: {  	v17 =	vld [tilespmem:s23+$0xFFFFFE00];
	v18 =	vbroadcast v19, $0x0;
	_ =	sdelay $0x1  }
0x1cd: {  	v19 =	vadd.s32 v0, v18;
	_ =	sdelay $0x2  }
0x1ce: {  	v17 =	vmul.f32 $5.656854150e+00, v17;
	_ =	sdelay $0x1  }
0x1cf: {  	[tilespmem:v19+s18+$0x0] =	vst.idx.msk $0xffff, v17  }
0x1d0: {  	v17 =	vld [tilespmem:s23+$0xFFFFFE10];
	_ =	sdelay $0x1  }
0x1d1: {  	v18 =	vadd.s32 v2, v18;
	_ =	sdelay $0x1  }
0x1d2: {  	s25 =	sadd.s32 $0x1, s24  }
0x1d3: {  	v19 =	vmov s25;
	v17 =	vmul.f32 $5.656854150e+00, v17  }
0x1d4: {  	v19 =	vshrl.u32 v19, $0x3  }
0x1d5: {  	[tilespmem:v18+s18+$0x0] =	vst.idx.msk $0xffff, v17;
	v17 =	vshll.u32 v19, v1  }
0x1d6: {  	v18 =	vld [tilespmem:s23+$0xFFFFFE80];
	v17 =	vbroadcast v17, $0x0;
	_ =	sdelay $0x1  }
0x1d7: {  	v19 =	vadd.s32 v3, v17;
	_ =	sdelay $0x2  }
0x1d8: {  	v18 =	vmul.f32 $5.656854150e+00, v18;
	_ =	sdelay $0x1  }
0x1d9: {  	[tilespmem:v19+s18+$0x0] =	vst.idx.msk $0xffff, v18  }
0x1da: {  	v18 =	vld [tilespmem:s23+$0xFFFFFE90];
	_ =	sdelay $0x1  }
0x1db: {  	v17 =	vadd.s32 v4, v17;
	_ =	sdelay $0x1  }
0x1dc: {  	s30 =	sadd.s32 $0x2, s24  }
0x1dd: {  	v19 =	vmov s30;
	v18 =	vmul.f32 $5.656854150e+00, v18  }
0x1de: {  	v19 =	vshrl.u32 v19, $0x3  }
0x1df: {  	[tilespmem:v17+s18+$0x0] =	vst.idx.msk $0xffff, v18;
	v17 =	vshll.u32 v19, v1  }
0x1e0: {  	v18 =	vld [tilespmem:s23+$0xFFFFFF00];
	v17 =	vbroadcast v17, $0x0;
	_ =	sdelay $0x1  }
0x1e1: {  	v19 =	vadd.s32 v5, v17;
	_ =	sdelay $0x2  }
0x1e2: {  	v18 =	vmul.f32 $5.656854150e+00, v18;
	_ =	sdelay $0x1  }
0x1e3: {  	[tilespmem:v19+s18+$0x0] =	vst.idx.msk $0xffff, v18  }
0x1e4: {  	v18 =	vld [tilespmem:s23+$0xFFFFFF10];
	_ =	sdelay $0x1  }
0x1e5: {  	v17 =	vadd.s32 v6, v17;
	_ =	sdelay $0x1  }
0x1e6: {  	s31 =	sadd.s32 $0x3, s24  }
0x1e7: {  	v19 =	vmov s31;
	v18 =	vmul.f32 $5.656854150e+00, v18  }
0x1e8: {  	v19 =	vshrl.u32 v19, $0x3  }
0x1e9: {  	[tilespmem:v17+s18+$0x0] =	vst.idx.msk $0xffff, v18;
	v17 =	vshll.u32 v19, v1  }
0x1ea: {  	v18 =	vld [tilespmem:s23+$0xFFFFFF80];
	v17 =	vbroadcast v17, $0x0;
	_ =	sdelay $0x1  }
0x1eb: {  	v19 =	vadd.s32 v7, v17;
	_ =	sdelay $0x2  }
0x1ec: {  	v18 =	vmul.f32 $5.656854150e+00, v18;
	_ =	sdelay $0x1  }
0x1ed: {  	[tilespmem:v19+s18+$0x0] =	vst.idx.msk $0xffff, v18  }
0x1ee: {  	v18 =	vld [tilespmem:s23+$0xFFFFFF90];
	_ =	sdelay $0x1  }
0x1ef: {  	v17 =	vadd.s32 v8, v17;
	_ =	sdelay $0x1  }
0x1f0: {  	s26 =	sadd.s32 $0x4, s24  }
0x1f1: {  	v19 =	vmov s26;
	v18 =	vmul.f32 $5.656854150e+00, v18  }
0x1f2: {  	v19 =	vshrl.u32 v19, $0x3  }
0x1f3: {  	[tilespmem:v17+s18+$0x0] =	vst.idx.msk $0xffff, v18;
	v17 =	vshll.u32 v19, v1  }
0x1f4: {  	v18 =	vld [tilespmem:s23+$0x0];
	v17 =	vbroadcast v17, $0x0;
	_ =	sdelay $0x1  }
0x1f5: {  	v19 =	vadd.s32 v9, v17;
	_ =	sdelay $0x2  }
0x1f6: {  	v18 =	vmul.f32 $5.656854150e+00, v18;
	_ =	sdelay $0x1  }
0x1f7: {  	[tilespmem:v19+s18+$0x0] =	vst.idx.msk $0xffff, v18  }
0x1f8: {  	v18 =	vld [tilespmem:s23+$0x10];
	_ =	sdelay $0x1  }
0x1f9: {  	v17 =	vadd.s32 v10, v17;
	_ =	sdelay $0x1  }
0x1fa: {  	s28 =	sadd.s32 $0x5, s24  }
0x1fb: {  	v19 =	vmov s28;
	v18 =	vmul.f32 $5.656854150e+00, v18  }
0x1fc: {  	v19 =	vshrl.u32 v19, $0x3  }
0x1fd: {  	[tilespmem:v17+s18+$0x0] =	vst.idx.msk $0xffff, v18;
	v17 =	vshll.u32 v19, v1  }
0x1fe: {  	v18 =	vld [tilespmem:s23+$0x80];
	v17 =	vbroadcast v17, $0x0;
	_ =	sdelay $0x1  }
0x1ff: {  	v19 =	vadd.s32 v11, v17;
	_ =	sdelay $0x2  }
0x200: {  	v18 =	vmul.f32 $5.656854150e+00, v18;
	_ =	sdelay $0x1  }
0x201: {  	[tilespmem:v19+s18+$0x0] =	vst.idx.msk $0xffff, v18  }
0x202: {  	v18 =	vld [tilespmem:s23+$0x90];
	_ =	sdelay $0x1  }
0x203: {  	v17 =	vadd.s32 v12, v17;
	_ =	sdelay $0x1  }
0x204: {  	s29 =	sadd.s32 $0x6, s24  }
0x205: {  	v19 =	vmov s29;
	v18 =	vmul.f32 $5.656854150e+00, v18  }
0x206: {  	v19 =	vshrl.u32 v19, $0x3  }
0x207: {  	[tilespmem:v17+s18+$0x0] =	vst.idx.msk $0xffff, v18;
	v17 =	vshll.u32 v19, v1  }
0x208: {  	v18 =	vld [tilespmem:s23+$0x100];
	v17 =	vbroadcast v17, $0x0;
	_ =	sdelay $0x1  }
0x209: {  	v19 =	vadd.s32 v13, v17;
	_ =	sdelay $0x2  }
0x20a: {  	v18 =	vmul.f32 $5.656854150e+00, v18;
	_ =	sdelay $0x1  }
0x20b: {  	[tilespmem:v19+s18+$0x0] =	vst.idx.msk $0xffff, v18  }
0x20c: {  	v18 =	vld [tilespmem:s23+$0x110];
	_ =	sdelay $0x1  }
0x20d: {  	v17 =	vadd.s32 v14, v17;
	_ =	sdelay $0x1  }
0x20e: {  	s30 =	sadd.s32 $0x7, s24  }
0x20f: {  	v19 =	vmov s30;
	v18 =	vmul.f32 $5.656854150e+00, v18  }
0x210: {  	v19 =	vshrl.u32 v19, $0x3  }
0x211: {  	[tilespmem:v17+s18+$0x0] =	vst.idx.msk $0xffff, v18;
	v17 =	vshll.u32 v19, v1  }
0x212: {  	v18 =	vld [tilespmem:s23+$0x180];
	v17 =	vbroadcast v17, $0x0;
	_ =	sdelay $0x1  }
0x213: {  	v19 =	vadd.s32 v15, v17;
	_ =	sdelay $0x2  }
0x214: {  	v18 =	vmul.f32 $5.656854150e+00, v18;
	_ =	sdelay $0x1  }
0x215: {  	[tilespmem:v19+s18+$0x0] =	vst.idx.msk $0xffff, v18  }
0x216: {  	v18 =	vld [tilespmem:s23+$0x190];
	_ =	sdelay $0x1  }
0x217: {  	v17 =	vadd.s32 v16, v17;
	_ =	sdelay $0x2  }
0x218: {  	v18 =	vmul.f32 $5.656854150e+00, v18  }
0x219: {  	s22 =	sadd.s32 s22, s5  }
0x21a: {  	s22 =	sadd.s32 $0x20, s22;
	s31 =	simm.s32 $0x18500;
	s23 =	simm.s32 $0x420;
	[tilespmem:v17+s18+$0x0] =	vst.idx.msk $0xffff, v18  }
0x21b: {  	[hbm4b:s22+s2] =	stream.linear.scatter [tilespmem:s31], [sflag:$0x4], $0x100, $0x38;
	[tilespmem:$0x1A600] =	vst v63  }
.LBB2_13:
0x21c: {  	p0 =	sne.s32 s23, $0x7FE0  }
.Ltmp6:
0x21d: {  	_ = 	snop;
	(pc) =	sbr.rel @p0 .LBB2_13-.Ltmp6, $4  }
0x21e: {  	_ = 	snop  }
0x21f: {  	s24 =	sshra.s32 s23, $0x2;
	s23 =	sadd.s32 $0x420, s23  }
0x220: {  	s22 =	sadd.s32 $0x800, s22;
	s24 =	sadd.s32 $0x18500, s24  }
0x221: {  	[hbm4b:s22+s2] =	stream.linear.scatter [tilespmem:s24], [sflag:$0x4], $0x100, $0x38;
	[tilespmem:$0x1A600] =	vst v63  }
0x222: {  	s21 =	sadd.s32 $0x1, s21  }
0x223: {  	p0 =	sne.s32 s21, $0x32  }
.Ltmp7:
0x224: {  	_ = 	snop;
	(pc) =	sbr.rel @p0 .LBB2_2-.Ltmp7, $1  }
0x225: {  	_ =	sdelay $0x3  }
0x226: {  	s20 =	sadd.s32 $0x1, s20  }
0x227: {  	_ =	swait.ge [sflag:s19], $0x2000;
	p0 =	sne.s32 s20, s7  }
.Ltmp8:
0x228: {  	[sflag:s19] =	ssyncset.done $0x0;
	(pc) =	sbr.rel @p0 .LBB2_1-.Ltmp8, $4  }
0x229: {  	[sflag:s19] =	ssyncadd.s32 $0xFFFFE000  }
0x22a: {  	_ =	swait.ge [sflag:s17], $0x2000  }
0x22b: {  	[sflag:s17] =	ssyncset.done $0x0  }
0x22c: {  	[sflag:s17] =	ssyncadd.s32 $0xFFFFE000  }
0x22d: {  	_ =	sfence.sel $0x180000  }
0x22e: {  	[bflag:$0x0] =	sbarrier.arrive $0xFFFF  }
0x22f: {  	p0 =	sne.s32 s1, $0x0;
	_ =	strace $0x90000047  }
0x230: {  	s0 =	sadd.s32 @!p0 $0x100000, s0;
	[bflag:$0x2] =	sbarrier.arrive $0xFFFF  }
0x231: {  	[sflag:s0] =	ssyncadd.tile.s32 @!p0 $0x1;
	_ =	shalt  }
.Lfunc_end2:
_tile_overlayer_lowered:
.L_overlay_start_2:
0x232: {  	(tag) =	ssettag $0x2  }
0x233: {  	s0 =	rddreg [dreg:$0x0];
	s2 =	stileid.u32  }
0x234: {  	s1 =	rddreg [dreg:$0x1];
	p0 =	sne.s32 s2, $0x0  }
0x235: {  	s3 =	rddreg [dreg:$0x2];
	[bflag:$0x3] =	sbarrier.arrive $0xFFFF;
	s2 =	simm.s32 @!p0 $0x1C05  }
0x236: {  	[timem:s3], [sflag:s2] =	dma.local @!p0 [hbm:s0], s1  }
0x237: {  	s0 =	simm.s32 @!p0 $0x5  }
0x238: {  	_ =	swait.ge @!p0 [sflag:s0], s1  }
0x239: {  	s1 =	ssub.s32 @!p0 $0x0, s1;
	[sflag:s0] =	ssyncset.done @!p0 $0x0  }
0x23a: {  	[sflag:s0] =	ssyncadd.s32 @!p0 s1  }
0x23b: {  	[bflag:$0x3] =	sbarrier.arrive $0xFFFF  }
0x23c: {  	_ =	shalt  }

</sc_bundles>
